<compile_context>
chip_gen: v7x
topology: tpu7x:2x2x1
jax: 0.10.2.dev20260603
libtpu: 0.0.44.dev20260713+nightly
codegen_flags: <defaults>
</compile_context>

<pallas_src>
import jax
import jax.numpy as jnp
from jax import lax
from jax.experimental import pallas as pl
from jax.experimental.pallas import tpu as pltpu
from jax.experimental.pallas import tpu_sc as plsc

N = 10000
D = 128
E = 320000
H = 128

NC = 2
NS = 16
NW = NC * NS
EPW = E // NW
CH = 64
NCHUNK = EPW // CH
TAIL = EPW - NCHUNK * CH
NP = 10048
NT = NP // CH

RB = 1000
LANES = 16


def _proj_body(x_ref, h_ref, wx_ref, wh_ref, ps_ref, pd_ref, s_ref):
    o = (jnp.dot(x_ref[...], wx_ref[...], preferred_element_type=jnp.float32)
         + jnp.dot(h_ref[...], wh_ref[...], preferred_element_type=jnp.float32))
    ps_ref[...] = o[:, :H]
    pd_ref[...] = o[:, H:2 * H]
    s_ref[...] = o[:, 2 * H:]


def _proj(x, hidden, wx, wh):
    grid = N // RB
    return pl.pallas_call(
        _proj_body,
        grid=(grid,),
        in_specs=[
            pl.BlockSpec((RB, D), lambda i: (i, 0)),
            pl.BlockSpec((RB, H), lambda i: (i, 0)),
            pl.BlockSpec((D, 3 * H), lambda i: (0, 0)),
            pl.BlockSpec((H, 3 * H), lambda i: (0, 0)),
        ],
        out_specs=[
            pl.BlockSpec((RB, H), lambda i: (i, 0)),
            pl.BlockSpec((RB, H), lambda i: (i, 0)),
            pl.BlockSpec((RB, H), lambda i: (i, 0)),
        ],
        out_shape=[jax.ShapeDtypeStruct((N, H), jnp.float32)] * 3,
    )(x, hidden, wx, wh)


def _edge_body(ps_hbm, pd_hbm, src_hbm, dst_hbm, out_hbm,
               a0, a1, b0, b1, m0, m1,
               is0, is1, id0, id1, d20, d21, it16, dt16, agg_sh,
               gsem0, gsem1, isem0, isem1, ssem0, ssem1):
    c = lax.axis_index("c")
    s = lax.axis_index("s")
    w = c * NS + s
    ebase = w * EPW

    a = (a0, a1)
    b = (b0, b1)
    m = (m0, m1)
    isv = (is0, is1)
    idv = (id0, id1)
    d2 = (d20, d21)
    gsem = (gsem0, gsem1)
    isem = (isem0, isem1)
    ssem = (ssem0, ssem1)

    def _zrow(r, carry):
        for k in range(H // LANES):
            m0[r, pl.ds(k * LANES, LANES)] = jnp.zeros((LANES,), jnp.float32)
        return carry
    lax.fori_loop(0, CH, _zrow, 0)

    ntiles = (NT - s + NS - 1) // NS

    def _ztile(t, carry):
        pltpu.sync_copy(m0, agg_sh.at[pl.ds((s + t * NS) * CH, CH)])
        return carry
    lax.fori_loop(0, ntiles, _ztile, 0)
    plsc.subcore_barrier()

    pltpu.sync_copy(src_hbm.at[pl.ds(ebase + NCHUNK * CH, TAIL)], it16)
    pltpu.sync_copy(dst_hbm.at[pl.ds(ebase + NCHUNK * CH, TAIL)], dt16)
    pltpu.async_copy(ps_hbm.at[it16], a0.at[pl.ds(0, TAIL)], gsem0).wait()
    pltpu.async_copy(pd_hbm.at[dt16], b0.at[pl.ds(0, TAIL)], gsem0).wait()

    def _trow(r, carry):
        for k in range(H // LANES):
            sl = pl.ds(k * LANES, LANES)
            m0[r, sl] = jnp.maximum(a0[r, sl] + b0[r, sl], 0.0)
        return carry
    lax.fori_loop(0, TAIL, _trow, 0)
    pltpu.sync_copy(m0.at[pl.ds(0, TAIL)], agg_sh.at[dt16], add=True)

    def issue_idx(j, p):
        off = ebase + j * CH
        pltpu.async_copy(src_hbm.at[pl.ds(off, CH)], isv[p], isem[p])
        pltpu.async_copy(dst_hbm.at[pl.ds(off, CH)], idv[p], isem[p])

    def wait_idx(p):
        pltpu.make_async_copy(src_hbm.at[pl.ds(0, CH)], isv[p], isem[p]).wait()
        pltpu.make_async_copy(dst_hbm.at[pl.ds(0, CH)], idv[p], isem[p]).wait()

    def issue_gather(p):
        pltpu.async_copy(ps_hbm.at[isv[p]], a[p], gsem[p])
        pltpu.async_copy(pd_hbm.at[idv[p]], b[p], gsem[p])

    def wait_gather(p):
        pltpu.make_async_copy(ps_hbm.at[isv[p]], a[p], gsem[p]).wait()
        pltpu.make_async_copy(pd_hbm.at[idv[p]], b[p], gsem[p]).wait()

    def issue_scatter(p):
        pltpu.async_copy(m[p], agg_sh.at[d2[p]], ssem[p], add=True)

    def wait_scatter(p):
        pltpu.make_async_copy(m[p], agg_sh.at[d2[p]], ssem[p]).wait()

    def save_idx(p):
        for k in range(CH // LANES):
            sl = pl.ds(k * LANES, LANES)
            d2[p][sl] = idv[p][sl]

    def compute(p):
        ap, bp, mp = a[p], b[p], m[p]

        def _crow(r, carry):
            for k in range(H // LANES):
                sl = pl.ds(k * LANES, LANES)
                mp[r, sl] = jnp.maximum(ap[r, sl] + bp[r, sl], 0.0)
            return carry
        lax.fori_loop(0, CH, _crow, 0)

    issue_idx(0, 0)
    issue_idx(1, 1)
    wait_idx(0)
    issue_gather(0)

    def _macro(t, carry):
        @pl.when(t >= 1)
        def _():
            wait_scatter(0)
        wait_idx(1)
        issue_gather(1)
        wait_gather(0)
        save_idx(0)

        @pl.when(t < NCHUNK // 2 - 1)
        def _():
            issue_idx(2 * t + 2, 0)
        compute(0)
        issue_scatter(0)

        @pl.when(t >= 1)
        def _():
            wait_scatter(1)

        @pl.when(t < NCHUNK // 2 - 1)
        def _():
            wait_idx(0)
            issue_gather(0)
        wait_gather(1)
        save_idx(1)

        @pl.when(t < NCHUNK // 2 - 1)
        def _():
            issue_idx(2 * t + 3, 1)
        compute(1)
        issue_scatter(1)
        return carry
    lax.fori_loop(0, NCHUNK // 2, _macro, 0)

    wait_scatter(0)
    wait_scatter(1)
    plsc.subcore_barrier()

    def _wtile(t, carry):
        off = (s + t * NS) * CH
        pltpu.sync_copy(agg_sh.at[pl.ds(off, CH)], m0)
        pltpu.sync_copy(m0, out_hbm.at[c, pl.ds(off, CH)])
        return carry
    lax.fori_loop(0, ntiles, _wtile, 0)


def _edge(ps, pd, src, dst):
    mesh = plsc.VectorSubcoreMesh(core_axis_name="c", subcore_axis_name="s")
    f = pl.kernel(
        _edge_body,
        out_type=jax.ShapeDtypeStruct((NC, NP, H), jnp.float32),
        mesh=mesh,
        scratch_types=[
            pltpu.VMEM((CH, H), jnp.float32),
            pltpu.VMEM((CH, H), jnp.float32),
            pltpu.VMEM((CH, H), jnp.float32),
            pltpu.VMEM((CH, H), jnp.float32),
            pltpu.VMEM((CH, H), jnp.float32),
            pltpu.VMEM((CH, H), jnp.float32),
            pltpu.VMEM((CH,), jnp.int32),
            pltpu.VMEM((CH,), jnp.int32),
            pltpu.VMEM((CH,), jnp.int32),
            pltpu.VMEM((CH,), jnp.int32),
            pltpu.VMEM((CH,), jnp.int32),
            pltpu.VMEM((CH,), jnp.int32),
            pltpu.VMEM((TAIL,), jnp.int32),
            pltpu.VMEM((TAIL,), jnp.int32),
            pltpu.VMEM_SHARED((NP, H), jnp.float32),
            pltpu.SemaphoreType.DMA,
            pltpu.SemaphoreType.DMA,
            pltpu.SemaphoreType.DMA,
            pltpu.SemaphoreType.DMA,
            pltpu.SemaphoreType.DMA,
            pltpu.SemaphoreType.DMA,
        ],
    )
    return f(ps, pd, src, dst)


def _final_body(s_ref, agg_ref, w_ref, o_ref):
    a = agg_ref[0] + agg_ref[1]
    o_ref[...] = jnp.maximum(
        s_ref[...] + jnp.dot(a, w_ref[...], preferred_element_type=jnp.float32),
        0.0)


def _final(s, agg2, w_agg):
    grid = N // RB
    return pl.pallas_call(
        _final_body,
        grid=(grid,),
        in_specs=[
            pl.BlockSpec((RB, H), lambda i: (i, 0)),
            pl.BlockSpec((NC, RB, H), lambda i: (0, i, 0)),
            pl.BlockSpec((H, H), lambda i: (0, 0)),
        ],
        out_specs=pl.BlockSpec((RB, H), lambda i: (i, 0)),
        out_shape=jax.ShapeDtypeStruct((N, H), jnp.float32),
    )(s, agg2, w_agg)


def kernel(x, edge_index, hidden, W_src, W_dst, W_self, W_agg):
    ei = edge_index.astype(jnp.int32)
    src, dst = ei[0], ei[1]
    wx = jnp.concatenate([W_src[:D], W_dst[:D], W_self[:D]], axis=1)
    wh = jnp.concatenate([W_src[D:], W_dst[D:], W_self[D:]], axis=1)
    ps, pd, s = _proj(x, hidden, wx, wh)
    agg2 = _edge(ps, pd, src, dst)
    return _final(s, agg2, W_agg)

# --- scband reference (transcript-rebuilt; emitter-appended) ---
"""Pipeline reference for scband-net-39926015984342 (READ-ONLY COPY).

The authoritative reference and input builder live on the scoring server;
editing this copy changes nothing except your own understanding.
"""

import jax, jax.numpy as jnp
import numpy as np

N = 10000   # n_nodes
D = 128     # d_feat
E = 320000  # n_edges
H = 128     # hidden_dim

def setup_inputs(seed: int = 0) -> dict:
    key = jax.random.key(seed)
    k1, k2, k3, k4, k5, k6 = jax.random.split(key, 6)
    x = jax.random.normal(k1, (N, D), dtype=jnp.float32)
    edge_index = jax.random.randint(k2, (2, E), 0, N, dtype=jnp.int32).astype(jnp.int64)
    hidden = jnp.zeros((N, H), dtype=jnp.float32)
    W_src = jax.random.normal(k3, (D + H, H), dtype=jnp.float32) * 0.05
    W_dst = jax.random.normal(k4, (D + H, H), dtype=jnp.float32) * 0.05
    W_self = jax.random.normal(k5, (D + H, H), dtype=jnp.float32) * 0.05
    W_agg = jax.random.normal(k6, (H, H), dtype=jnp.float32) * 0.05
    return {"x": x, "edge_index": edge_index, "hidden": hidden,
            "W_src": W_src, "W_dst": W_dst, "W_self": W_self, "W_agg": W_agg}

def reference(x, edge_index, hidden, W_src, W_dst, W_self, W_agg):
    # Core CLRS-style MPNN processor step on an edge list:
    #   z   = concat(node features, hidden state)
    #   msg = relu(W_src z_src + W_dst z_dst)   per edge (gather)
    #   agg = scatter-add of msgs into dst nodes (segment_sum)
    #   h'  = relu(W_self z + W_agg agg)
    z = jnp.concatenate([x, hidden], axis=-1)              # [N, D+H]
    src = edge_index[0]
    dst = edge_index[1]
    z_src = jnp.take(z, src, axis=0)                        # gather [E, D+H]
    z_dst = jnp.take(z, dst, axis=0)                        # gather [E, D+H]
    msg = jax.nn.relu(z_src @ W_src + z_dst @ W_dst)        # [E, H]
    agg = jax.ops.segment_sum(msg, dst, num_segments=N)     # scatter-add [N, H]
    out = jax.nn.relu(z @ W_self + agg @ W_agg)             # [N, H]
    return out

if __name__ == "__main__":
    import jax
    _d = setup_inputs()
    print(jax.jit(kernel)(*tuple(_d.values())))

</pallas_src>

<mosaic_0001>
#map = affine_map<(d0, d1) -> (0, 0)>
#map1 = affine_map<(d0, d1) -> (0)>
#map2 = affine_map<(d0, d1) -> (0, 0, 0)>
module attributes {stable_mosaic.version = 14 : i64} {
  func.func @_edge_body(%arg0: i32, %arg1: i32, %arg2: memref<10000x128xf32, #tpu.memory_space<hbm>>, %arg3: memref<10000x128xf32, #tpu.memory_space<hbm>>, %arg4: memref<320000xi32, #tpu.memory_space<hbm>>, %arg5: memref<320000xi32, #tpu.memory_space<hbm>>, %arg6: memref<2x10048x128xf32, #tpu.memory_space<hbm>>, %arg7: memref<64x128xf32, #tpu.memory_space<vmem>>, %arg8: memref<64x128xf32, #tpu.memory_space<vmem>>, %arg9: memref<64x128xf32, #tpu.memory_space<vmem>>, %arg10: memref<64x128xf32, #tpu.memory_space<vmem>>, %arg11: memref<64x128xf32, #tpu.memory_space<vmem>>, %arg12: memref<64x128xf32, #tpu.memory_space<vmem>>, %arg13: memref<64xi32, #tpu.memory_space<vmem>>, %arg14: memref<64xi32, #tpu.memory_space<vmem>>, %arg15: memref<64xi32, #tpu.memory_space<vmem>>, %arg16: memref<64xi32, #tpu.memory_space<vmem>>, %arg17: memref<64xi32, #tpu.memory_space<vmem>>, %arg18: memref<64xi32, #tpu.memory_space<vmem>>, %arg19: memref<16xi32, #tpu.memory_space<vmem>>, %arg20: memref<16xi32, #tpu.memory_space<vmem>>, %arg21: memref<10048x128xf32, #tpu.memory_space<vmem_shared>>, %arg22: memref<!tpu.dma_semaphore, #tpu.memory_space<semaphore_mem>>, %arg23: memref<!tpu.dma_semaphore, #tpu.memory_space<semaphore_mem>>, %arg24: memref<!tpu.dma_semaphore, #tpu.memory_space<semaphore_mem>>, %arg25: memref<!tpu.dma_semaphore, #tpu.memory_space<semaphore_mem>>, %arg26: memref<!tpu.dma_semaphore, #tpu.memory_space<semaphore_mem>>, %arg27: memref<!tpu.dma_semaphore, #tpu.memory_space<semaphore_mem>>) attributes {dimension_semantics = [#tpu.dimension_semantics<core_parallel>, #tpu.dimension_semantics<subcore_parallel>], iteration_bounds = array<i64: 2, 16>, scalar_prefetch = 0 : i64, scratch_operands = 21 : i64, tpu.core_type = #tpu.core_type<sc_vector_subcore>, window_params = [{transform_indices = #map}, {transform_indices = #map}, {transform_indices = #map1}, {transform_indices = #map1}, {transform_indices = #map2}]} {
    %mul3A = arith.constant 16 : i32
    %mul3A_0 = arith.muli %arg0, %mul3A : i32
    %add3A = arith.addi %mul3A_0, %arg1 : i32
    %mul3A_1 = arith.constant 10000 : i32
    %mul3A_2 = arith.muli %add3A, %mul3A_1 : i32
    %scan3A = arith.constant 0 : i32
    %scan3A_3 = arith.constant 0 : i32
    %scan3A_4 = arith.constant 64 : i32
    %scan3A_5 = arith.addi %scan3A_3, %scan3A_4 : i32
    %scan3A_6 = arith.constant 1 : i32
    scf.for %scan3A_120 = %scan3A_3 to %scan3A_5 step %scan3A_6  : i32 {
      %broadcast_in_dim3A = arith.constant 0.000000e+00 : f32
      %broadcast_in_dim3A_121 = vector.broadcast %broadcast_in_dim3A : f32 to vector<16xf32>
      %swap3A = arith.index_cast %scan3A_120 : i32 to index
      %swap3A_122 = arith.constant 0 : index
      %swap3A_123 = tpu.vector_load %arg11[%swap3A, %swap3A_122] {strides = array<i32>} : memref<64x128xf32, #tpu.memory_space<vmem>>, vector<1x16xf32>,
      %swap3A_124 = vector.shape_cast %swap3A_123 : vector<1x16xf32> to vector<16xf32>
      %swap3A_125 = vector.shape_cast %broadcast_in_dim3A_121 : vector<16xf32> to vector<1x16xf32>
      tpu.vector_store %arg11[%swap3A, %swap3A_122], %swap3A_125 {strides = array<i32>} : memref<64x128xf32, #tpu.memory_space<vmem>>, vector<1x16xf32>,
      %broadcast_in_dim3A_126 = arith.constant 0.000000e+00 : f32
      %broadcast_in_dim3A_127 = vector.broadcast %broadcast_in_dim3A_126 : f32 to vector<16xf32>
      %swap3A_128 = arith.index_cast %scan3A_120 : i32 to index
      %swap3A_129 = arith.constant 16 : index
      %swap3A_130 = tpu.vector_load %arg11[%swap3A_128, %swap3A_129] {strides = array<i32>} : memref<64x128xf32, #tpu.memory_space<vmem>>, vector<1x16xf32>,
      %swap3A_131 = vector.shape_cast %swap3A_130 : vector<1x16xf32> to vector<16xf32>
      %swap3A_132 = vector.shape_cast %broadcast_in_dim3A_127 : vector<16xf32> to vector<1x16xf32>
      tpu.vector_store %arg11[%swap3A_128, %swap3A_129], %swap3A_132 {strides = array<i32>} : memref<64x128xf32, #tpu.memory_space<vmem>>, vector<1x16xf32>,
      %broadcast_in_dim3A_133 = arith.constant 0.000000e+00 : f32
      %broadcast_in_dim3A_134 = vector.broadcast %broadcast_in_dim3A_133 : f32 to vector<16xf32>
      %swap3A_135 = arith.index_cast %scan3A_120 : i32 to index
      %swap3A_136 = arith.constant 32 : index
      %swap3A_137 = tpu.vector_load %arg11[%swap3A_135, %swap3A_136] {strides = array<i32>} : memref<64x128xf32, #tpu.memory_space<vmem>>, vector<1x16xf32>,
      %swap3A_138 = vector.shape_cast %swap3A_137 : vector<1x16xf32> to vector<16xf32>
      %swap3A_139 = vector.shape_cast %broadcast_in_dim3A_134 : vector<16xf32> to vector<1x16xf32>
      tpu.vector_store %arg11[%swap3A_135, %swap3A_136], %swap3A_139 {strides = array<i32>} : memref<64x128xf32, #tpu.memory_space<vmem>>, vector<1x16xf32>,
      %broadcast_in_dim3A_140 = arith.constant 0.000000e+00 : f32
      %broadcast_in_dim3A_141 = vector.broadcast %broadcast_in_dim3A_140 : f32 to vector<16xf32>
      %swap3A_142 = arith.index_cast %scan3A_120 : i32 to index
      %swap3A_143 = arith.constant 48 : index
      %swap3A_144 = tpu.vector_load %arg11[%swap3A_142, %swap3A_143] {strides = array<i32>} : memref<64x128xf32, #tpu.memory_space<vmem>>, vector<1x16xf32>,
      %swap3A_145 = vector.shape_cast %swap3A_144 : vector<1x16xf32> to vector<16xf32>
      %swap3A_146 = vector.shape_cast %broadcast_in_dim3A_141 : vector<16xf32> to vector<1x16xf32>
      tpu.vector_store %arg11[%swap3A_142, %swap3A_143], %swap3A_146 {strides = array<i32>} : memref<64x128xf32, #tpu.memory_space<vmem>>, vector<1x16xf32>,
      %broadcast_in_dim3A_147 = arith.constant 0.000000e+00 : f32
      %broadcast_in_dim3A_148 = vector.broadcast %broadcast_in_dim3A_147 : f32 to vector<16xf32>
      %swap3A_149 = arith.index_cast %scan3A_120 : i32 to index
      %swap3A_150 = arith.constant 64 : index
      %swap3A_151 = tpu.vector_load %arg11[%swap3A_149, %swap3A_150] {strides = array<i32>} : memref<64x128xf32, #tpu.memory_space<vmem>>, vector<1x16xf32>,
      %swap3A_152 = vector.shape_cast %swap3A_151 : vector<1x16xf32> to vector<16xf32>
      %swap3A_153 = vector.shape_cast %broadcast_in_dim3A_148 : vector<16xf32> to vector<1x16xf32>
      tpu.vector_store %arg11[%swap3A_149, %swap3A_150], %swap3A_153 {strides = array<i32>} : memref<64x128xf32, #tpu.memory_space<vmem>>, vector<1x16xf32>,
      %broadcast_in_dim3A_154 = arith.constant 0.000000e+00 : f32
      %broadcast_in_dim3A_155 = vector.broadcast %broadcast_in_dim3A_154 : f32 to vector<16xf32>
      %swap3A_156 = arith.index_cast %scan3A_120 : i32 to index
      %swap3A_157 = arith.constant 80 : index
      %swap3A_158 = tpu.vector_load %arg11[%swap3A_156, %swap3A_157] {strides = array<i32>} : memref<64x128xf32, #tpu.memory_space<vmem>>, vector<1x16xf32>,
      %swap3A_159 = vector.shape_cast %swap3A_158 : vector<1x16xf32> to vector<16xf32>
      %swap3A_160 = vector.shape_cast %broadcast_in_dim3A_155 : vector<16xf32> to vector<1x16xf32>
      tpu.vector_store %arg11[%swap3A_156, %swap3A_157], %swap3A_160 {strides = array<i32>} : memref<64x128xf32, #tpu.memory_space<vmem>>, vector<1x16xf32>,
      %broadcast_in_dim3A_161 = arith.constant 0.000000e+00 : f32
      %broadcast_in_dim3A_162 = vector.broadcast %broadcast_in_dim3A_161 : f32 to vector<16xf32>
      %swap3A_163 = arith.index_cast %scan3A_120 : i32 to index
      %swap3A_164 = arith.constant 96 : index
      %swap3A_165 = tpu.vector_load %arg11[%swap3A_163, %swap3A_164] {strides = array<i32>} : memref<64x128xf32, #tpu.memory_space<vmem>>, vector<1x16xf32>,
      %swap3A_166 = vector.shape_cast %swap3A_165 : vector<1x16xf32> to vector<16xf32>
      %swap3A_167 = vector.shape_cast %broadcast_in_dim3A_162 : vector<16xf32> to vector<1x16xf32>
      tpu.vector_store %arg11[%swap3A_163, %swap3A_164], %swap3A_167 {strides = array<i32>} : memref<64x128xf32, #tpu.memory_space<vmem>>, vector<1x16xf32>,
      %broadcast_in_dim3A_168 = arith.constant 0.000000e+00 : f32
      %broadcast_in_dim3A_169 = vector.broadcast %broadcast_in_dim3A_168 : f32 to vector<16xf32>
      %swap3A_170 = arith.index_cast %scan3A_120 : i32 to index
      %swap3A_171 = arith.constant 112 : index
      %swap3A_172 = tpu.vector_load %arg11[%swap3A_170, %swap3A_171] {strides = array<i32>} : memref<64x128xf32, #tpu.memory_space<vmem>>, vector<1x16xf32>,
      %swap3A_173 = vector.shape_cast %swap3A_172 : vector<1x16xf32> to vector<16xf32>
      %swap3A_174 = vector.shape_cast %broadcast_in_dim3A_169 : vector<16xf32> to vector<1x16xf32>
      tpu.vector_store %arg11[%swap3A_170, %swap3A_171], %swap3A_174 {strides = array<i32>} : memref<64x128xf32, #tpu.memory_space<vmem>>, vector<1x16xf32>,
    }
    %scan3A_7 = arith.constant 64 : i32
    %sub3A = arith.constant 157 : i32
    %sub3A_8 = arith.subi %sub3A, %arg1 : i32
    %add3A_9 = arith.constant 16 : i32
    %add3A_10 = arith.addi %sub3A_8, %add3A_9 : i32
    %sub3A_11 = arith.constant 1 : i32
    %sub3A_12 = arith.subi %add3A_10, %sub3A_11 : i32
    %jit3A = arith.constant 16 : i32
    %div3A = arith.divsi %sub3A_12, %jit3A : i32
    %sign3A = arith.constant 0 : i32
    %sign3A_13 = arith.cmpi sgt, %sub3A_12, %sign3A : i32
    %sign3A_14 = arith.extui %sign3A_13 : i1 to i32
    %sign3A_15 = arith.constant 0 : i32
    %sign3A_16 = arith.cmpi slt, %sub3A_12, %sign3A_15 : i32
    %sign3A_17 = arith.extui %sign3A_16 : i1 to i32
    %sign3A_18 = arith.subi %sign3A_14, %sign3A_17 : i32
    %sign3A_19 = arith.constant 0 : i32
    %sign3A_20 = arith.cmpi sgt, %jit3A, %sign3A_19 : i32
    %sign3A_21 = arith.extui %sign3A_20 : i1 to i32
    %sign3A_22 = arith.constant 0 : i32
    %sign3A_23 = arith.cmpi slt, %jit3A, %sign3A_22 : i32
    %sign3A_24 = arith.extui %sign3A_23 : i1 to i32
    %sign3A_25 = arith.subi %sign3A_21, %sign3A_24 : i32
    %ne3A = arith.cmpi ne, %sign3A_18, %sign3A_25 : i32
    %rem3A = arith.remsi %sub3A_12, %jit3A : i32
    %ne3A_26 = arith.constant 0 : i32
    %ne3A_27 = arith.cmpi ne, %rem3A, %ne3A_26 : i32
    %and3A = arith.andi %ne3A, %ne3A_27 : i1
    %sub3A_28 = arith.constant 1 : i32
    %sub3A_29 = arith.subi %div3A, %sub3A_28 : i32
    %select_n3A = arith.select %and3A, %sub3A_29, %div3A : i32
    %while3A = arith.constant 0 : i32
    %while3A_30 = arith.constant 0 : i32
    %while3A_31 = arith.subi %select_n3A, %while3A_30 : i32
    %while3A_32 = arith.addi %while3A_30, %while3A_31 : i32
    %while3A_33 = arith.constant 1 : i32
    %while3A_34 = arith.divsi %while3A_31, %while3A_33 : i32
    %while3A_35 = arith.muli %while3A_34, %while3A_33 : i32
    %while3A_36 = arith.addi %while3A_30, %while3A_35 : i32
    %while3A_37 = arith.constant 1 : i32
    scf.for %while3A_120 = %while3A_30 to %while3A_36 step %while3A_37  : i32 {
      %mul3A_121 = arith.constant 16 : i32
      %mul3A_122 = arith.muli %while3A_120, %mul3A_121 : i32
      %add3A_123 = arith.addi %arg1, %mul3A_122 : i32
      %mul3A_124 = arith.constant 64 : i32
      %mul3A_125 = arith.muli %add3A_123, %mul3A_124 : i32
      "tpu.region"() ({
        %run_scoped3A = tpu.sem_alloc : memref<!tpu.dma_semaphore, #tpu.memory_space<semaphore_mem>>
        %dma_start3A_126 = arith.constant 0 : i32
        %dma_start3A_127 = tpu.memref_slice %arg21[%mul3A_125, %dma_start3A_126] : memref<10048x128xf32, #tpu.memory_space<vmem_shared>> -> memref<64x128xf32, #tpu.memory_space<vmem_shared>>
        %dma_start3A_128 = arith.constant 0 : i32
        %dma_start3A_129 = tpu.memref_slice %arg21[%mul3A_125, %dma_start3A_128] : memref<10048x128xf32, #tpu.memory_space<vmem_shared>> -> memref<64x128xf32, #tpu.memory_space<vmem_shared>>
        tpu.enqueue_dma source(%arg11 : memref<64x128xf32, #tpu.memory_space<vmem>>) target(%dma_start3A_129 : memref<64x128xf32, #tpu.memory_space<vmem_shared>>) target_semaphore(%run_scoped3A : memref<!tpu.dma_semaphore, #tpu.memory_space<semaphore_mem>>)
        %dma_wait3A_130 = arith.constant 0 : i32
        %dma_wait3A_131 = tpu.memref_slice %arg21[%mul3A_125, %dma_wait3A_130] : memref<10048x128xf32, #tpu.memory_space<vmem_shared>> -> memref<64x128xf32, #tpu.memory_space<vmem_shared>>
        %dma_wait3A_132 = arith.constant 0 : i32
        %dma_wait3A_133 = tpu.memref_slice %arg21[%mul3A_125, %dma_wait3A_132] : memref<10048x128xf32, #tpu.memory_space<vmem_shared>> -> memref<64x128xf32, #tpu.memory_space<vmem_shared>>
        tpu.wait_dma2 semaphore(%run_scoped3A : memref<!tpu.dma_semaphore, #tpu.memory_space<semaphore_mem>>) src(%arg11 : memref<64x128xf32, #tpu.memory_space<vmem>>) dst(%dma_wait3A_133 : memref<64x128xf32, #tpu.memory_space<vmem_shared>>)
        tpu.yield
      }) : () -> ()
    }
    %while3A_38 = arith.constant 1 : i32
    scf.for %while3A_120 = %while3A_36 to %while3A_32 step %while3A_38  : i32 {
      %mul3A_121 = arith.constant 16 : i32
      %mul3A_122 = arith.muli %while3A_120, %mul3A_121 : i32
      %add3A_123 = arith.addi %arg1, %mul3A_122 : i32
      %mul3A_124 = arith.constant 64 : i32
      %mul3A_125 = arith.muli %add3A_123, %mul3A_124 : i32
      "tpu.region"() ({
        %run_scoped3A = tpu.sem_alloc : memref<!tpu.dma_semaphore, #tpu.memory_space<semaphore_mem>>
        %dma_start3A_126 = arith.constant 0 : i32
        %dma_start3A_127 = tpu.memref_slice %arg21[%mul3A_125, %dma_start3A_126] : memref<10048x128xf32, #tpu.memory_space<vmem_shared>> -> memref<64x128xf32, #tpu.memory_space<vmem_shared>>
        %dma_start3A_128 = arith.constant 0 : i32
        %dma_start3A_129 = tpu.memref_slice %arg21[%mul3A_125, %dma_start3A_128] : memref<10048x128xf32, #tpu.memory_space<vmem_shared>> -> memref<64x128xf32, #tpu.memory_space<vmem_shared>>
        tpu.enqueue_dma source(%arg11 : memref<64x128xf32, #tpu.memory_space<vmem>>) target(%dma_start3A_129 : memref<64x128xf32, #tpu.memory_space<vmem_shared>>) target_semaphore(%run_scoped3A : memref<!tpu.dma_semaphore, #tpu.memory_space<semaphore_mem>>)
        %dma_wait3A_130 = arith.constant 0 : i32
        %dma_wait3A_131 = tpu.memref_slice %arg21[%mul3A_125, %dma_wait3A_130] : memref<10048x128xf32, #tpu.memory_space<vmem_shared>> -> memref<64x128xf32, #tpu.memory_space<vmem_shared>>
        %dma_wait3A_132 = arith.constant 0 : i32
        %dma_wait3A_133 = tpu.memref_slice %arg21[%mul3A_125, %dma_wait3A_132] : memref<10048x128xf32, #tpu.memory_space<vmem_shared>> -> memref<64x128xf32, #tpu.memory_space<vmem_shared>>
        tpu.wait_dma2 semaphore(%run_scoped3A : memref<!tpu.dma_semaphore, #tpu.memory_space<semaphore_mem>>) src(%arg11 : memref<64x128xf32, #tpu.memory_space<vmem>>) dst(%dma_wait3A_133 : memref<64x128xf32, #tpu.memory_space<vmem_shared>>)
        tpu.yield
      }) : () -> ()
    }
    %barrier3A = arith.constant 0 : index
    tpu.barrier barrier_id(%barrier3A)
    %add3A_39 = arith.constant 9984 : i32
    %add3A_40 = arith.addi %mul3A_2, %add3A_39 : i32
    "tpu.region"() ({
      %run_scoped3A = tpu.sem_alloc : memref<!tpu.dma_semaphore, #tpu.memory_space<semaphore_mem>>
      %dma_start3A_120 = tpu.memref_slice %arg4[%add3A_40] : memref<320000xi32, #tpu.memory_space<hbm>> -> memref<16xi32, #tpu.memory_space<hbm>>
      %dma_start3A_121 = tpu.memref_slice %arg4[%add3A_40] : memref<320000xi32, #tpu.memory_space<hbm>> -> memref<16xi32, #tpu.memory_space<hbm>>
      tpu.enqueue_dma source(%dma_start3A_121 : memref<16xi32, #tpu.memory_space<hbm>>) target(%arg19 : memref<16xi32, #tpu.memory_space<vmem>>) target_semaphore(%run_scoped3A : memref<!tpu.dma_semaphore, #tpu.memory_space<semaphore_mem>>)
      %dma_wait3A_122 = tpu.memref_slice %arg4[%add3A_40] : memref<320000xi32, #tpu.memory_space<hbm>> -> memref<16xi32, #tpu.memory_space<hbm>>
      %dma_wait3A_123 = tpu.memref_slice %arg4[%add3A_40] : memref<320000xi32, #tpu.memory_space<hbm>> -> memref<16xi32, #tpu.memory_space<hbm>>
      tpu.wait_dma2 semaphore(%run_scoped3A : memref<!tpu.dma_semaphore, #tpu.memory_space<semaphore_mem>>) src(%dma_wait3A_123 : memref<16xi32, #tpu.memory_space<hbm>>) dst(%arg19 : memref<16xi32, #tpu.memory_space<vmem>>)
      tpu.yield
    }) : () -> ()
    %add3A_41 = arith.constant 9984 : i32
    %add3A_42 = arith.addi %mul3A_2, %add3A_41 : i32
    "tpu.region"() ({
      %run_scoped3A = tpu.sem_alloc : memref<!tpu.dma_semaphore, #tpu.memory_space<semaphore_mem>>
      %dma_start3A_120 = tpu.memref_slice %arg5[%add3A_42] : memref<320000xi32, #tpu.memory_space<hbm>> -> memref<16xi32, #tpu.memory_space<hbm>>
      %dma_start3A_121 = tpu.memref_slice %arg5[%add3A_42] : memref<320000xi32, #tpu.memory_space<hbm>> -> memref<16xi32, #tpu.memory_space<hbm>>
      tpu.enqueue_dma source(%dma_start3A_121 : memref<16xi32, #tpu.memory_space<hbm>>) target(%arg20 : memref<16xi32, #tpu.memory_space<vmem>>) target_semaphore(%run_scoped3A : memref<!tpu.dma_semaphore, #tpu.memory_space<semaphore_mem>>)
      %dma_wait3A_122 = tpu.memref_slice %arg5[%add3A_42] : memref<320000xi32, #tpu.memory_space<hbm>> -> memref<16xi32, #tpu.memory_space<hbm>>
      %dma_wait3A_123 = tpu.memref_slice %arg5[%add3A_42] : memref<320000xi32, #tpu.memory_space<hbm>> -> memref<16xi32, #tpu.memory_space<hbm>>
      tpu.wait_dma2 semaphore(%run_scoped3A : memref<!tpu.dma_semaphore, #tpu.memory_space<semaphore_mem>>) src(%dma_wait3A_123 : memref<16xi32, #tpu.memory_space<hbm>>) dst(%arg20 : memref<16xi32, #tpu.memory_space<vmem>>)
      tpu.yield
    }) : () -> ()
    %dma_start3A = arith.constant 0 : i32
    %dma_start3A_43 = arith.constant 0 : i32
    %dma_start3A_44 = tpu.memref_slice %arg7[%dma_start3A, %dma_start3A_43] : memref<64x128xf32, #tpu.memory_space<vmem>> -> memref<16x128xf32, #tpu.memory_space<vmem>>
    %dma_start3A_45 = arith.constant 0 : i32
    %dma_start3A_46 = arith.constant 0 : i32
    %dma_start3A_47 = tpu.memref_slice %arg2[%dma_start3A_45, %dma_start3A_46] : memref<10000x128xf32, #tpu.memory_space<hbm>> -> memref<10000x128xf32, #tpu.memory_space<hbm>>
    tpu.enqueue_indirect_dma source(%dma_start3A_47 : memref<10000x128xf32, #tpu.memory_space<hbm>>) target(%dma_start3A_44 : memref<16x128xf32, #tpu.memory_space<vmem>>) offsets(%arg19 : memref<16xi32, #tpu.memory_space<vmem>>) semaphore(%arg22 : memref<!tpu.dma_semaphore, #tpu.memory_space<semaphore_mem>>)
    %dma_wait3A = arith.constant 0 : i32
    %dma_wait3A_48 = arith.constant 0 : i32
    %dma_wait3A_49 = tpu.memref_slice %arg7[%dma_wait3A, %dma_wait3A_48] : memref<64x128xf32, #tpu.memory_space<vmem>> -> memref<16x128xf32, #tpu.memory_space<vmem>>
    %dma_wait3A_50 = arith.constant 0 : i32
    %dma_wait3A_51 = arith.constant 0 : i32
    %dma_wait3A_52 = tpu.memref_slice %arg2[%dma_wait3A_50, %dma_wait3A_51] : memref<10000x128xf32, #tpu.memory_space<hbm>> -> memref<10000x128xf32, #tpu.memory_space<hbm>>
    tpu.wait_indirect_dma semaphore(%arg22 : memref<!tpu.dma_semaphore, #tpu.memory_space<semaphore_mem>>) src(%dma_wait3A_52 : memref<10000x128xf32, #tpu.memory_space<hbm>>) dst(%dma_wait3A_49 : memref<16x128xf32, #tpu.memory_space<vmem>>)
    %dma_start3A_53 = arith.constant 0 : i32
    %dma_start3A_54 = arith.constant 0 : i32
    %dma_start3A_55 = tpu.memref_slice %arg9[%dma_start3A_53, %dma_start3A_54] : memref<64x128xf32, #tpu.memory_space<vmem>> -> memref<16x128xf32, #tpu.memory_space<vmem>>
    %dma_start3A_56 = arith.constant 0 : i32
    %dma_start3A_57 = arith.constant 0 : i32
    %dma_start3A_58 = tpu.memref_slice %arg3[%dma_start3A_56, %dma_start3A_57] : memref<10000x128xf32, #tpu.memory_space<hbm>> -> memref<10000x128xf32, #tpu.memory_space<hbm>>
    tpu.enqueue_indirect_dma source(%dma_start3A_58 : memref<10000x128xf32, #tpu.memory_space<hbm>>) target(%dma_start3A_55 : memref<16x128xf32, #tpu.memory_space<vmem>>) offsets(%arg20 : memref<16xi32, #tpu.memory_space<vmem>>) semaphore(%arg22 : memref<!tpu.dma_semaphore, #tpu.memory_space<semaphore_mem>>)
    %dma_wait3A_59 = arith.constant 0 : i32
    %dma_wait3A_60 = arith.constant 0 : i32
    %dma_wait3A_61 = tpu.memref_slice %arg9[%dma_wait3A_59, %dma_wait3A_60] : memref<64x128xf32, #tpu.memory_space<vmem>> -> memref<16x128xf32, #tpu.memory_space<vmem>>
    %dma_wait3A_62 = arith.constant 0 : i32
    %dma_wait3A_63 = arith.constant 0 : i32
    %dma_wait3A_64 = tpu.memref_slice %arg3[%dma_wait3A_62, %dma_wait3A_63] : memref<10000x128xf32, #tpu.memory_space<hbm>> -> memref<10000x128xf32, #tpu.memory_space<hbm>>
    tpu.wait_indirect_dma semaphore(%arg22 : memref<!tpu.dma_semaphore, #tpu.memory_space<semaphore_mem>>) src(%dma_wait3A_64 : memref<10000x128xf32, #tpu.memory_space<hbm>>) dst(%dma_wait3A_61 : memref<16x128xf32, #tpu.memory_space<vmem>>)
    %scan3A_65 = arith.constant 0 : i32
    %scan3A_66 = arith.constant 0 : i32
    %scan3A_67 = arith.constant 16 : i32
    %scan3A_68 = arith.addi %scan3A_66, %scan3A_67 : i32
    %scan3A_69 = arith.constant 1 : i32
    scf.for %scan3A_120 = %scan3A_66 to %scan3A_68 step %scan3A_69  : i32 {
      %get3A = arith.index_cast %scan3A_120 : i32 to index
      %get3A_121 = arith.constant 0 : index
      %get3A_122 = tpu.vector_load %arg7[%get3A, %get3A_121] {strides = array<i32>} : memref<64x128xf32, #tpu.memory_space<vmem>>, vector<1x16xf32>,
      %get3A_123 = vector.shape_cast %get3A_122 : vector<1x16xf32> to vector<16xf32>
      %get3A_124 = arith.index_cast %scan3A_120 : i32 to index
      %get3A_125 = arith.constant 0 : index
      %get3A_126 = tpu.vector_load %arg9[%get3A_124, %get3A_125] {strides = array<i32>} : memref<64x128xf32, #tpu.memory_space<vmem>>, vector<1x16xf32>,
      %get3A_127 = vector.shape_cast %get3A_126 : vector<1x16xf32> to vector<16xf32>
      %add3A_128 = arith.addf %get3A_123, %get3A_127 : vector<16xf32>
      %max3A = arith.constant 0.000000e+00 : f32
      %max3A_129 = vector.broadcast %max3A : f32 to vector<16xf32>
      %max3A_130 = arith.maximumf %add3A_128, %max3A_129 : vector<16xf32>
      %swap3A = arith.index_cast %scan3A_120 : i32 to index
      %swap3A_131 = arith.constant 0 : index
      %swap3A_132 = tpu.vector_load %arg11[%swap3A, %swap3A_131] {strides = array<i32>} : memref<64x128xf32, #tpu.memory_space<vmem>>, vector<1x16xf32>,
      %swap3A_133 = vector.shape_cast %swap3A_132 : vector<1x16xf32> to vector<16xf32>
      %swap3A_134 = vector.shape_cast %max3A_130 : vector<16xf32> to vector<1x16xf32>
      tpu.vector_store %arg11[%swap3A, %swap3A_131], %swap3A_134 {strides = array<i32>} : memref<64x128xf32, #tpu.memory_space<vmem>>, vector<1x16xf32>,
      %get3A_135 = arith.index_cast %scan3A_120 : i32 to index
      %get3A_136 = arith.constant 16 : index
      %get3A_137 = tpu.vector_load %arg7[%get3A_135, %get3A_136] {strides = array<i32>} : memref<64x128xf32, #tpu.memory_space<vmem>>, vector<1x16xf32>,
      %get3A_138 = vector.shape_cast %get3A_137 : vector<1x16xf32> to vector<16xf32>
      %get3A_139 = arith.index_cast %scan3A_120 : i32 to index
      %get3A_140 = arith.constant 16 : index
      %get3A_141 = tpu.vector_load %arg9[%get3A_139, %get3A_140] {strides = array<i32>} : memref<64x128xf32, #tpu.memory_space<vmem>>, vector<1x16xf32>,
      %get3A_142 = vector.shape_cast %get3A_141 : vector<1x16xf32> to vector<16xf32>
      %add3A_143 = arith.addf %get3A_138, %get3A_142 : vector<16xf32>
      %max3A_144 = arith.constant 0.000000e+00 : f32
      %max3A_145 = vector.broadcast %max3A_144 : f32 to vector<16xf32>
      %max3A_146 = arith.maximumf %add3A_143, %max3A_145 : vector<16xf32>
      %swap3A_147 = arith.index_cast %scan3A_120 : i32 to index
      %swap3A_148 = arith.constant 16 : index
      %swap3A_149 = tpu.vector_load %arg11[%swap3A_147, %swap3A_148] {strides = array<i32>} : memref<64x128xf32, #tpu.memory_space<vmem>>, vector<1x16xf32>,
      %swap3A_150 = vector.shape_cast %swap3A_149 : vector<1x16xf32> to vector<16xf32>
      %swap3A_151 = vector.shape_cast %max3A_146 : vector<16xf32> to vector<1x16xf32>
      tpu.vector_store %arg11[%swap3A_147, %swap3A_148], %swap3A_151 {strides = array<i32>} : memref<64x128xf32, #tpu.memory_space<vmem>>, vector<1x16xf32>,
      %get3A_152 = arith.index_cast %scan3A_120 : i32 to index
      %get3A_153 = arith.constant 32 : index
      %get3A_154 = tpu.vector_load %arg7[%get3A_152, %get3A_153] {strides = array<i32>} : memref<64x128xf32, #tpu.memory_space<vmem>>, vector<1x16xf32>,
      %get3A_155 = vector.shape_cast %get3A_154 : vector<1x16xf32> to vector<16xf32>
      %get3A_156 = arith.index_cast %scan3A_120 : i32 to index
      %get3A_157 = arith.constant 32 : index
      %get3A_158 = tpu.vector_load %arg9[%get3A_156, %get3A_157] {strides = array<i32>} : memref<64x128xf32, #tpu.memory_space<vmem>>, vector<1x16xf32>,
      %get3A_159 = vector.shape_cast %get3A_158 : vector<1x16xf32> to vector<16xf32>
      %add3A_160 = arith.addf %get3A_155, %get3A_159 : vector<16xf32>
      %max3A_161 = arith.constant 0.000000e+00 : f32
      %max3A_162 = vector.broadcast %max3A_161 : f32 to vector<16xf32>
      %max3A_163 = arith.maximumf %add3A_160, %max3A_162 : vector<16xf32>
      %swap3A_164 = arith.index_cast %scan3A_120 : i32 to index
      %swap3A_165 = arith.constant 32 : index
      %swap3A_166 = tpu.vector_load %arg11[%swap3A_164, %swap3A_165] {strides = array<i32>} : memref<64x128xf32, #tpu.memory_space<vmem>>, vector<1x16xf32>,
      %swap3A_167 = vector.shape_cast %swap3A_166 : vector<1x16xf32> to vector<16xf32>
      %swap3A_168 = vector.shape_cast %max3A_163 : vector<16xf32> to vector<1x16xf32>
      tpu.vector_store %arg11[%swap3A_164, %swap3A_165], %swap3A_168 {strides = array<i32>} : memref<64x128xf32, #tpu.memory_space<vmem>>, vector<1x16xf32>,
      %get3A_169 = arith.index_cast %scan3A_120 : i32 to index
      %get3A_170 = arith.constant 48 : index
      %get3A_171 = tpu.vector_load %arg7[%get3A_169, %get3A_170] {strides = array<i32>} : memref<64x128xf32, #tpu.memory_space<vmem>>, vector<1x16xf32>,
      %get3A_172 = vector.shape_cast %get3A_171 : vector<1x16xf32> to vector<16xf32>
      %get3A_173 = arith.index_cast %scan3A_120 : i32 to index
      %get3A_174 = arith.constant 48 : index
      %get3A_175 = tpu.vector_load %arg9[%get3A_173, %get3A_174] {strides = array<i32>} : memref<64x128xf32, #tpu.memory_space<vmem>>, vector<1x16xf32>,
      %get3A_176 = vector.shape_cast %get3A_175 : vector<1x16xf32> to vector<16xf32>
      %add3A_177 = arith.addf %get3A_172, %get3A_176 : vector<16xf32>
      %max3A_178 = arith.constant 0.000000e+00 : f32
      %max3A_179 = vector.broadcast %max3A_178 : f32 to vector<16xf32>
      %max3A_180 = arith.maximumf %add3A_177, %max3A_179 : vector<16xf32>
      %swap3A_181 = arith.index_cast %scan3A_120 : i32 to index
      %swap3A_182 = arith.constant 48 : index
      %swap3A_183 = tpu.vector_load %arg11[%swap3A_181, %swap3A_182] {strides = array<i32>} : memref<64x128xf32, #tpu.memory_space<vmem>>, vector<1x16xf32>,
      %swap3A_184 = vector.shape_cast %swap3A_183 : vector<1x16xf32> to vector<16xf32>
      %swap3A_185 = vector.shape_cast %max3A_180 : vector<16xf32> to vector<1x16xf32>
      tpu.vector_store %arg11[%swap3A_181, %swap3A_182], %swap3A_185 {strides = array<i32>} : memref<64x128xf32, #tpu.memory_space<vmem>>, vector<1x16xf32>,
      %get3A_186 = arith.index_cast %scan3A_120 : i32 to index
      %get3A_187 = arith.constant 64 : index
      %get3A_188 = tpu.vector_load %arg7[%get3A_186, %get3A_187] {strides = array<i32>} : memref<64x128xf32, #tpu.memory_space<vmem>>, vector<1x16xf32>,
      %get3A_189 = vector.shape_cast %get3A_188 : vector<1x16xf32> to vector<16xf32>
      %get3A_190 = arith.index_cast %scan3A_120 : i32 to index
      %get3A_191 = arith.constant 64 : index
      %get3A_192 = tpu.vector_load %arg9[%get3A_190, %get3A_191] {strides = array<i32>} : memref<64x128xf32, #tpu.memory_space<vmem>>, vector<1x16xf32>,
      %get3A_193 = vector.shape_cast %get3A_192 : vector<1x16xf32> to vector<16xf32>
      %add3A_194 = arith.addf %get3A_189, %get3A_193 : vector<16xf32>
      %max3A_195 = arith.constant 0.000000e+00 : f32
      %max3A_196 = vector.broadcast %max3A_195 : f32 to vector<16xf32>
      %max3A_197 = arith.maximumf %add3A_194, %max3A_196 : vector<16xf32>
      %swap3A_198 = arith.index_cast %scan3A_120 : i32 to index
      %swap3A_199 = arith.constant 64 : index
      %swap3A_200 = tpu.vector_load %arg11[%swap3A_198, %swap3A_199] {strides = array<i32>} : memref<64x128xf32, #tpu.memory_space<vmem>>, vector<1x16xf32>,
      %swap3A_201 = vector.shape_cast %swap3A_200 : vector<1x16xf32> to vector<16xf32>
      %swap3A_202 = vector.shape_cast %max3A_197 : vector<16xf32> to vector<1x16xf32>
      tpu.vector_store %arg11[%swap3A_198, %swap3A_199], %swap3A_202 {strides = array<i32>} : memref<64x128xf32, #tpu.memory_space<vmem>>, vector<1x16xf32>,
      %get3A_203 = arith.index_cast %scan3A_120 : i32 to index
      %get3A_204 = arith.constant 80 : index
      %get3A_205 = tpu.vector_load %arg7[%get3A_203, %get3A_204] {strides = array<i32>} : memref<64x128xf32, #tpu.memory_space<vmem>>, vector<1x16xf32>,
      %get3A_206 = vector.shape_cast %get3A_205 : vector<1x16xf32> to vector<16xf32>
      %get3A_207 = arith.index_cast %scan3A_120 : i32 to index
      %get3A_208 = arith.constant 80 : index
      %get3A_209 = tpu.vector_load %arg9[%get3A_207, %get3A_208] {strides = array<i32>} : memref<64x128xf32, #tpu.memory_space<vmem>>, vector<1x16xf32>,
      %get3A_210 = vector.shape_cast %get3A_209 : vector<1x16xf32> to vector<16xf32>
      %add3A_211 = arith.addf %get3A_206, %get3A_210 : vector<16xf32>
      %max3A_212 = arith.constant 0.000000e+00 : f32
      %max3A_213 = vector.broadcast %max3A_212 : f32 to vector<16xf32>
      %max3A_214 = arith.maximumf %add3A_211, %max3A_213 : vector<16xf32>
      %swap3A_215 = arith.index_cast %scan3A_120 : i32 to index
      %swap3A_216 = arith.constant 80 : index
      %swap3A_217 = tpu.vector_load %arg11[%swap3A_215, %swap3A_216] {strides = array<i32>} : memref<64x128xf32, #tpu.memory_space<vmem>>, vector<1x16xf32>,
      %swap3A_218 = vector.shape_cast %swap3A_217 : vector<1x16xf32> to vector<16xf32>
      %swap3A_219 = vector.shape_cast %max3A_214 : vector<16xf32> to vector<1x16xf32>
      tpu.vector_store %arg11[%swap3A_215, %swap3A_216], %swap3A_219 {strides = array<i32>} : memref<64x128xf32, #tpu.memory_space<vmem>>, vector<1x16xf32>,
      %get3A_220 = arith.index_cast %scan3A_120 : i32 to index
      %get3A_221 = arith.constant 96 : index
      %get3A_222 = tpu.vector_load %arg7[%get3A_220, %get3A_221] {strides = array<i32>} : memref<64x128xf32, #tpu.memory_space<vmem>>, vector<1x16xf32>,
      %get3A_223 = vector.shape_cast %get3A_222 : vector<1x16xf32> to vector<16xf32>
      %get3A_224 = arith.index_cast %scan3A_120 : i32 to index
      %get3A_225 = arith.constant 96 : index
      %get3A_226 = tpu.vector_load %arg9[%get3A_224, %get3A_225] {strides = array<i32>} : memref<64x128xf32, #tpu.memory_space<vmem>>, vector<1x16xf32>,
      %get3A_227 = vector.shape_cast %get3A_226 : vector<1x16xf32> to vector<16xf32>
      %add3A_228 = arith.addf %get3A_223, %get3A_227 : vector<16xf32>
      %max3A_229 = arith.constant 0.000000e+00 : f32
      %max3A_230 = vector.broadcast %max3A_229 : f32 to vector<16xf32>
      %max3A_231 = arith.maximumf %add3A_228, %max3A_230 : vector<16xf32>
      %swap3A_232 = arith.index_cast %scan3A_120 : i32 to index
      %swap3A_233 = arith.constant 96 : index
      %swap3A_234 = tpu.vector_load %arg11[%swap3A_232, %swap3A_233] {strides = array<i32>} : memref<64x128xf32, #tpu.memory_space<vmem>>, vector<1x16xf32>,
      %swap3A_235 = vector.shape_cast %swap3A_234 : vector<1x16xf32> to vector<16xf32>
      %swap3A_236 = vector.shape_cast %max3A_231 : vector<16xf32> to vector<1x16xf32>
      tpu.vector_store %arg11[%swap3A_232, %swap3A_233], %swap3A_236 {strides = array<i32>} : memref<64x128xf32, #tpu.memory_space<vmem>>, vector<1x16xf32>,
      %get3A_237 = arith.index_cast %scan3A_120 : i32 to index
      %get3A_238 = arith.constant 112 : index
      %get3A_239 = tpu.vector_load %arg7[%get3A_237, %get3A_238] {strides = array<i32>} : memref<64x128xf32, #tpu.memory_space<vmem>>, vector<1x16xf32>,
      %get3A_240 = vector.shape_cast %get3A_239 : vector<1x16xf32> to vector<16xf32>
      %get3A_241 = arith.index_cast %scan3A_120 : i32 to index
      %get3A_242 = arith.constant 112 : index
      %get3A_243 = tpu.vector_load %arg9[%get3A_241, %get3A_242] {strides = array<i32>} : memref<64x128xf32, #tpu.memory_space<vmem>>, vector<1x16xf32>,
      %get3A_244 = vector.shape_cast %get3A_243 : vector<1x16xf32> to vector<16xf32>
      %add3A_245 = arith.addf %get3A_240, %get3A_244 : vector<16xf32>
      %max3A_246 = arith.constant 0.000000e+00 : f32
      %max3A_247 = vector.broadcast %max3A_246 : f32 to vector<16xf32>
      %max3A_248 = arith.maximumf %add3A_245, %max3A_247 : vector<16xf32>
      %swap3A_249 = arith.index_cast %scan3A_120 : i32 to index
      %swap3A_250 = arith.constant 112 : index
      %swap3A_251 = tpu.vector_load %arg11[%swap3A_249, %swap3A_250] {strides = array<i32>} : memref<64x128xf32, #tpu.memory_space<vmem>>, vector<1x16xf32>,
      %swap3A_252 = vector.shape_cast %swap3A_251 : vector<1x16xf32> to vector<16xf32>
      %swap3A_253 = vector.shape_cast %max3A_248 : vector<16xf32> to vector<1x16xf32>
      tpu.vector_store %arg11[%swap3A_249, %swap3A_250], %swap3A_253 {strides = array<i32>} : memref<64x128xf32, #tpu.memory_space<vmem>>, vector<1x16xf32>,
    }
    %scan3A_70 = arith.constant 16 : i32
    "tpu.region"() ({
      %run_scoped3A = tpu.sem_alloc : memref<!tpu.dma_semaphore, #tpu.memory_space<semaphore_mem>>
      %dma_start3A_120 = arith.constant 0 : i32
      %dma_start3A_121 = arith.constant 0 : i32
      %dma_start3A_122 = tpu.memref_slice %arg11[%dma_start3A_120, %dma_start3A_121] : memref<64x128xf32, #tpu.memory_space<vmem>> -> memref<16x128xf32, #tpu.memory_space<vmem>>
      %dma_start3A_123 = arith.constant 0 : i32
      %dma_start3A_124 = arith.constant 0 : i32
      %dma_start3A_125 = tpu.memref_slice %arg21[%dma_start3A_123, %dma_start3A_124] : memref<10048x128xf32, #tpu.memory_space<vmem_shared>> -> memref<10048x128xf32, #tpu.memory_space<vmem_shared>>
      tpu.enqueue_indirect_dma source(%dma_start3A_122 : memref<16x128xf32, #tpu.memory_space<vmem>>) target(%dma_start3A_125 : memref<10048x128xf32, #tpu.memory_space<vmem_shared>>) offsets(%arg20 : memref<16xi32, #tpu.memory_space<vmem>>) semaphore(%run_scoped3A : memref<!tpu.dma_semaphore, #tpu.memory_space<semaphore_mem>>) {add = true}
      %dma_wait3A_126 = arith.constant 0 : i32
      %dma_wait3A_127 = arith.constant 0 : i32
      %dma_wait3A_128 = tpu.memref_slice %arg11[%dma_wait3A_126, %dma_wait3A_127] : memref<64x128xf32, #tpu.memory_space<vmem>> -> memref<16x128xf32, #tpu.memory_space<vmem>>
      %dma_wait3A_129 = arith.constant 0 : i32
      %dma_wait3A_130 = arith.constant 0 : i32
      %dma_wait3A_131 = tpu.memref_slice %arg21[%dma_wait3A_129, %dma_wait3A_130] : memref<10048x128xf32, #tpu.memory_space<vmem_shared>> -> memref<10048x128xf32, #tpu.memory_space<vmem_shared>>
      tpu.wait_indirect_dma semaphore(%run_scoped3A : memref<!tpu.dma_semaphore, #tpu.memory_space<semaphore_mem>>) src(%dma_wait3A_128 : memref<16x128xf32, #tpu.memory_space<vmem>>) dst(%dma_wait3A_131 : memref<10048x128xf32, #tpu.memory_space<vmem_shared>>)
      tpu.yield
    }) : () -> ()
    %add3A_71 = arith.constant 0 : i32
    %add3A_72 = arith.addi %mul3A_2, %add3A_71 : i32
    %dma_start3A_73 = tpu.memref_slice %arg4[%add3A_72] : memref<320000xi32, #tpu.memory_space<hbm>> -> memref<64xi32, #tpu.memory_space<hbm>>
    %dma_start3A_74 = tpu.memref_slice %arg4[%add3A_72] : memref<320000xi32, #tpu.memory_space<hbm>> -> memref<64xi32, #tpu.memory_space<hbm>>
    tpu.enqueue_dma source(%dma_start3A_74 : memref<64xi32, #tpu.memory_space<hbm>>) target(%arg13 : memref<64xi32, #tpu.memory_space<vmem>>) target_semaphore(%arg24 : memref<!tpu.dma_semaphore, #tpu.memory_space<semaphore_mem>>)
    %dma_start3A_75 = tpu.memref_slice %arg5[%add3A_72] : memref<320000xi32, #tpu.memory_space<hbm>> -> memref<64xi32, #tpu.memory_space<hbm>>
    %dma_start3A_76 = tpu.memref_slice %arg5[%add3A_72] : memref<320000xi32, #tpu.memory_space<hbm>> -> memref<64xi32, #tpu.memory_space<hbm>>
    tpu.enqueue_dma source(%dma_start3A_76 : memref<64xi32, #tpu.memory_space<hbm>>) target(%arg15 : memref<64xi32, #tpu.memory_space<vmem>>) target_semaphore(%arg24 : memref<!tpu.dma_semaphore, #tpu.memory_space<semaphore_mem>>)
    %add3A_77 = arith.constant 64 : i32
    %add3A_78 = arith.addi %mul3A_2, %add3A_77 : i32
    %dma_start3A_79 = tpu.memref_slice %arg4[%add3A_78] : memref<320000xi32, #tpu.memory_space<hbm>> -> memref<64xi32, #tpu.memory_space<hbm>>
    %dma_start3A_80 = tpu.memref_slice %arg4[%add3A_78] : memref<320000xi32, #tpu.memory_space<hbm>> -> memref<64xi32, #tpu.memory_space<hbm>>
    tpu.enqueue_dma source(%dma_start3A_80 : memref<64xi32, #tpu.memory_space<hbm>>) target(%arg14 : memref<64xi32, #tpu.memory_space<vmem>>) target_semaphore(%arg25 : memref<!tpu.dma_semaphore, #tpu.memory_space<semaphore_mem>>)
    %dma_start3A_81 = tpu.memref_slice %arg5[%add3A_78] : memref<320000xi32, #tpu.memory_space<hbm>> -> memref<64xi32, #tpu.memory_space<hbm>>
    %dma_start3A_82 = tpu.memref_slice %arg5[%add3A_78] : memref<320000xi32, #tpu.memory_space<hbm>> -> memref<64xi32, #tpu.memory_space<hbm>>
    tpu.enqueue_dma source(%dma_start3A_82 : memref<64xi32, #tpu.memory_space<hbm>>) target(%arg16 : memref<64xi32, #tpu.memory_space<vmem>>) target_semaphore(%arg25 : memref<!tpu.dma_semaphore, #tpu.memory_space<semaphore_mem>>)
    %dma_wait3A_83 = arith.constant 0 : i32
    %dma_wait3A_84 = tpu.memref_slice %arg4[%dma_wait3A_83] : memref<320000xi32, #tpu.memory_space<hbm>> -> memref<64xi32, #tpu.memory_space<hbm>>
    %dma_wait3A_85 = arith.constant 0 : i32
    %dma_wait3A_86 = tpu.memref_slice %arg4[%dma_wait3A_85] : memref<320000xi32, #tpu.memory_space<hbm>> -> memref<64xi32, #tpu.memory_space<hbm>>
    tpu.wait_dma2 semaphore(%arg24 : memref<!tpu.dma_semaphore, #tpu.memory_space<semaphore_mem>>) src(%dma_wait3A_86 : memref<64xi32, #tpu.memory_space<hbm>>) dst(%arg13 : memref<64xi32, #tpu.memory_space<vmem>>)
    %dma_wait3A_87 = arith.constant 0 : i32
    %dma_wait3A_88 = tpu.memref_slice %arg5[%dma_wait3A_87] : memref<320000xi32, #tpu.memory_space<hbm>> -> memref<64xi32, #tpu.memory_space<hbm>>
    %dma_wait3A_89 = arith.constant 0 : i32
    %dma_wait3A_90 = tpu.memref_slice %arg5[%dma_wait3A_89] : memref<320000xi32, #tpu.memory_space<hbm>> -> memref<64xi32, #tpu.memory_space<hbm>>
    tpu.wait_dma2 semaphore(%arg24 : memref<!tpu.dma_semaphore, #tpu.memory_space<semaphore_mem>>) src(%dma_wait3A_90 : memref<64xi32, #tpu.memory_space<hbm>>) dst(%arg15 : memref<64xi32, #tpu.memory_space<vmem>>)
    %dma_start3A_91 = arith.constant 0 : i32
    %dma_start3A_92 = arith.constant 0 : i32
    %dma_start3A_93 = tpu.memref_slice %arg2[%dma_start3A_91, %dma_start3A_92] : memref<10000x128xf32, #tpu.memory_space<hbm>> -> memref<10000x128xf32, #tpu.memory_space<hbm>>
    tpu.enqueue_indirect_dma source(%dma_start3A_93 : memref<10000x128xf32, #tpu.memory_space<hbm>>) target(%arg7 : memref<64x128xf32, #tpu.memory_space<vmem>>) offsets(%arg13 : memref<64xi32, #tpu.memory_space<vmem>>) semaphore(%arg22 : memref<!tpu.dma_semaphore, #tpu.memory_space<semaphore_mem>>)
    %dma_start3A_94 = arith.constant 0 : i32
    %dma_start3A_95 = arith.constant 0 : i32
    %dma_start3A_96 = tpu.memref_slice %arg3[%dma_start3A_94, %dma_start3A_95] : memref<10000x128xf32, #tpu.memory_space<hbm>> -> memref<10000x128xf32, #tpu.memory_space<hbm>>
    tpu.enqueue_indirect_dma source(%dma_start3A_96 : memref<10000x128xf32, #tpu.memory_space<hbm>>) target(%arg9 : memref<64x128xf32, #tpu.memory_space<vmem>>) offsets(%arg15 : memref<64xi32, #tpu.memory_space<vmem>>) semaphore(%arg22 : memref<!tpu.dma_semaphore, #tpu.memory_space<semaphore_mem>>)
    %scan3A_97 = arith.constant 0 : i32
    %scan3A_98 = arith.constant 0 : i32
    %scan3A_99 = arith.constant 78 : i32
    %scan3A_100 = arith.addi %scan3A_98, %scan3A_99 : i32
    %scan3A_101 = arith.constant 1 : i32
    scf.for %scan3A_120 = %scan3A_98 to %scan3A_100 step %scan3A_101  : i32 {
      %ge3A = arith.constant 1 : i32
      %ge3A_121 = arith.cmpi sge, %scan3A_120, %ge3A : i32
      %convert_element_type3A = arith.extui %ge3A_121 : i1 to i32
      %cond3A = arith.constant 0 : i32
      %cond3A_122 = arith.cmpi ne, %convert_element_type3A, %cond3A : i32
      scf.if %cond3A_122 {
        %dma_wait3A_240 = arith.constant 0 : i32
        %dma_wait3A_241 = arith.constant 0 : i32
        %dma_wait3A_242 = tpu.memref_slice %arg21[%dma_wait3A_240, %dma_wait3A_241] : memref<10048x128xf32, #tpu.memory_space<vmem_shared>> -> memref<10048x128xf32, #tpu.memory_space<vmem_shared>>
        tpu.wait_indirect_dma semaphore(%arg26 : memref<!tpu.dma_semaphore, #tpu.memory_space<semaphore_mem>>) src(%arg11 : memref<64x128xf32, #tpu.memory_space<vmem>>) dst(%dma_wait3A_242 : memref<10048x128xf32, #tpu.memory_space<vmem_shared>>)
      } else {
      }
      %dma_wait3A_123 = arith.constant 0 : i32
      %dma_wait3A_124 = tpu.memref_slice %arg4[%dma_wait3A_123] : memref<320000xi32, #tpu.memory_space<hbm>> -> memref<64xi32, #tpu.memory_space<hbm>>
      %dma_wait3A_125 = arith.constant 0 : i32
      %dma_wait3A_126 = tpu.memref_slice %arg4[%dma_wait3A_125] : memref<320000xi32, #tpu.memory_space<hbm>> -> memref<64xi32, #tpu.memory_space<hbm>>
      tpu.wait_dma2 semaphore(%arg25 : memref<!tpu.dma_semaphore, #tpu.memory_space<semaphore_mem>>) src(%dma_wait3A_126 : memref<64xi32, #tpu.memory_space<hbm>>) dst(%arg14 : memref<64xi32, #tpu.memory_space<vmem>>)
      %dma_wait3A_127 = arith.constant 0 : i32
      %dma_wait3A_128 = tpu.memref_slice %arg5[%dma_wait3A_127] : memref<320000xi32, #tpu.memory_space<hbm>> -> memref<64xi32, #tpu.memory_space<hbm>>
      %dma_wait3A_129 = arith.constant 0 : i32
      %dma_wait3A_130 = tpu.memref_slice %arg5[%dma_wait3A_129] : memref<320000xi32, #tpu.memory_space<hbm>> -> memref<64xi32, #tpu.memory_space<hbm>>
      tpu.wait_dma2 semaphore(%arg25 : memref<!tpu.dma_semaphore, #tpu.memory_space<semaphore_mem>>) src(%dma_wait3A_130 : memref<64xi32, #tpu.memory_space<hbm>>) dst(%arg16 : memref<64xi32, #tpu.memory_space<vmem>>)
      %dma_start3A_131 = arith.constant 0 : i32
      %dma_start3A_132 = arith.constant 0 : i32
      %dma_start3A_133 = tpu.memref_slice %arg2[%dma_start3A_131, %dma_start3A_132] : memref<10000x128xf32, #tpu.memory_space<hbm>> -> memref<10000x128xf32, #tpu.memory_space<hbm>>
      tpu.enqueue_indirect_dma source(%dma_start3A_133 : memref<10000x128xf32, #tpu.memory_space<hbm>>) target(%arg8 : memref<64x128xf32, #tpu.memory_space<vmem>>) offsets(%arg14 : memref<64xi32, #tpu.memory_space<vmem>>) semaphore(%arg23 : memref<!tpu.dma_semaphore, #tpu.memory_space<semaphore_mem>>)
      %dma_start3A_134 = arith.constant 0 : i32
      %dma_start3A_135 = arith.constant 0 : i32
      %dma_start3A_136 = tpu.memref_slice %arg3[%dma_start3A_134, %dma_start3A_135] : memref<10000x128xf32, #tpu.memory_space<hbm>> -> memref<10000x128xf32, #tpu.memory_space<hbm>>
      tpu.enqueue_indirect_dma source(%dma_start3A_136 : memref<10000x128xf32, #tpu.memory_space<hbm>>) target(%arg10 : memref<64x128xf32, #tpu.memory_space<vmem>>) offsets(%arg16 : memref<64xi32, #tpu.memory_space<vmem>>) semaphore(%arg23 : memref<!tpu.dma_semaphore, #tpu.memory_space<semaphore_mem>>)
      %dma_wait3A_137 = arith.constant 0 : i32
      %dma_wait3A_138 = arith.constant 0 : i32
      %dma_wait3A_139 = tpu.memref_slice %arg2[%dma_wait3A_137, %dma_wait3A_138] : memref<10000x128xf32, #tpu.memory_space<hbm>> -> memref<10000x128xf32, #tpu.memory_space<hbm>>
      tpu.wait_indirect_dma semaphore(%arg22 : memref<!tpu.dma_semaphore, #tpu.memory_space<semaphore_mem>>) src(%dma_wait3A_139 : memref<10000x128xf32, #tpu.memory_space<hbm>>) dst(%arg7 : memref<64x128xf32, #tpu.memory_space<vmem>>)
      %dma_wait3A_140 = arith.constant 0 : i32
      %dma_wait3A_141 = arith.constant 0 : i32
      %dma_wait3A_142 = tpu.memref_slice %arg3[%dma_wait3A_140, %dma_wait3A_141] : memref<10000x128xf32, #tpu.memory_space<hbm>> -> memref<10000x128xf32, #tpu.memory_space<hbm>>
      tpu.wait_indirect_dma semaphore(%arg22 : memref<!tpu.dma_semaphore, #tpu.memory_space<semaphore_mem>>) src(%dma_wait3A_142 : memref<10000x128xf32, #tpu.memory_space<hbm>>) dst(%arg9 : memref<64x128xf32, #tpu.memory_space<vmem>>)
      %get3A = arith.constant 0 : index
      %get3A_143 = tpu.vector_load %arg15[%get3A] {strides = array<i32>} : memref<64xi32, #tpu.memory_space<vmem>>, vector<16xi32>,
      %get3A_144 = vector.shape_cast %get3A_143 : vector<16xi32> to vector<16xi32>
      %swap3A = arith.constant 0 : index
      %swap3A_145 = tpu.vector_load %arg17[%swap3A] {strides = array<i32>} : memref<64xi32, #tpu.memory_space<vmem>>, vector<16xi32>,
      %swap3A_146 = vector.shape_cast %swap3A_145 : vector<16xi32> to vector<16xi32>
      %swap3A_147 = vector.shape_cast %get3A_144 : vector<16xi32> to vector<16xi32>
      tpu.vector_store %arg17[%swap3A], %swap3A_147 {strides = array<i32>} : memref<64xi32, #tpu.memory_space<vmem>>, vector<16xi32>,
      %get3A_148 = arith.constant 16 : index
      %get3A_149 = tpu.vector_load %arg15[%get3A_148] {strides = array<i32>} : memref<64xi32, #tpu.memory_space<vmem>>, vector<16xi32>,
      %get3A_150 = vector.shape_cast %get3A_149 : vector<16xi32> to vector<16xi32>
      %swap3A_151 = arith.constant 16 : index
      %swap3A_152 = tpu.vector_load %arg17[%swap3A_151] {strides = array<i32>} : memref<64xi32, #tpu.memory_space<vmem>>, vector<16xi32>,
      %swap3A_153 = vector.shape_cast %swap3A_152 : vector<16xi32> to vector<16xi32>
      %swap3A_154 = vector.shape_cast %get3A_150 : vector<16xi32> to vector<16xi32>
      tpu.vector_store %arg17[%swap3A_151], %swap3A_154 {strides = array<i32>} : memref<64xi32, #tpu.memory_space<vmem>>, vector<16xi32>,
      %get3A_155 = arith.constant 32 : index
      %get3A_156 = tpu.vector_load %arg15[%get3A_155] {strides = array<i32>} : memref<64xi32, #tpu.memory_space<vmem>>, vector<16xi32>,
      %get3A_157 = vector.shape_cast %get3A_156 : vector<16xi32> to vector<16xi32>
      %swap3A_158 = arith.constant 32 : index
      %swap3A_159 = tpu.vector_load %arg17[%swap3A_158] {strides = array<i32>} : memref<64xi32, #tpu.memory_space<vmem>>, vector<16xi32>,
      %swap3A_160 = vector.shape_cast %swap3A_159 : vector<16xi32> to vector<16xi32>
      %swap3A_161 = vector.shape_cast %get3A_157 : vector<16xi32> to vector<16xi32>
      tpu.vector_store %arg17[%swap3A_158], %swap3A_161 {strides = array<i32>} : memref<64xi32, #tpu.memory_space<vmem>>, vector<16xi32>,
      %get3A_162 = arith.constant 48 : index
      %get3A_163 = tpu.vector_load %arg15[%get3A_162] {strides = array<i32>} : memref<64xi32, #tpu.memory_space<vmem>>, vector<16xi32>,
      %get3A_164 = vector.shape_cast %get3A_163 : vector<16xi32> to vector<16xi32>
      %swap3A_165 = arith.constant 48 : index
      %swap3A_166 = tpu.vector_load %arg17[%swap3A_165] {strides = array<i32>} : memref<64xi32, #tpu.memory_space<vmem>>, vector<16xi32>,
      %swap3A_167 = vector.shape_cast %swap3A_166 : vector<16xi32> to vector<16xi32>
      %swap3A_168 = vector.shape_cast %get3A_164 : vector<16xi32> to vector<16xi32>
      tpu.vector_store %arg17[%swap3A_165], %swap3A_168 {strides = array<i32>} : memref<64xi32, #tpu.memory_space<vmem>>, vector<16xi32>,
      %lt3A = arith.constant 77 : i32
      %lt3A_169 = arith.cmpi slt, %scan3A_120, %lt3A : i32
      %convert_element_type3A_170 = arith.extui %lt3A_169 : i1 to i32
      %cond3A_171 = arith.constant 0 : i32
      %cond3A_172 = arith.cmpi ne, %convert_element_type3A_170, %cond3A_171 : i32
      scf.if %cond3A_172 {
        %mul3A_240 = arith.constant 2 : i32
        %mul3A_241 = arith.muli %mul3A_240, %scan3A_120 : i32
        %add3A_242 = arith.constant 2 : i32
        %add3A_243 = arith.addi %mul3A_241, %add3A_242 : i32
        %mul3A_244 = arith.constant 64 : i32
        %mul3A_245 = arith.muli %add3A_243, %mul3A_244 : i32
        %add3A_246 = arith.addi %mul3A_2, %mul3A_245 : i32
        %dma_start3A_247 = tpu.memref_slice %arg4[%add3A_246] : memref<320000xi32, #tpu.memory_space<hbm>> -> memref<64xi32, #tpu.memory_space<hbm>>
        %dma_start3A_248 = tpu.memref_slice %arg4[%add3A_246] : memref<320000xi32, #tpu.memory_space<hbm>> -> memref<64xi32, #tpu.memory_space<hbm>>
        tpu.enqueue_dma source(%dma_start3A_248 : memref<64xi32, #tpu.memory_space<hbm>>) target(%arg13 : memref<64xi32, #tpu.memory_space<vmem>>) target_semaphore(%arg24 : memref<!tpu.dma_semaphore, #tpu.memory_space<semaphore_mem>>)
        %dma_start3A_249 = tpu.memref_slice %arg5[%add3A_246] : memref<320000xi32, #tpu.memory_space<hbm>> -> memref<64xi32, #tpu.memory_space<hbm>>
        %dma_start3A_250 = tpu.memref_slice %arg5[%add3A_246] : memref<320000xi32, #tpu.memory_space<hbm>> -> memref<64xi32, #tpu.memory_space<hbm>>
        tpu.enqueue_dma source(%dma_start3A_250 : memref<64xi32, #tpu.memory_space<hbm>>) target(%arg15 : memref<64xi32, #tpu.memory_space<vmem>>) target_semaphore(%arg24 : memref<!tpu.dma_semaphore, #tpu.memory_space<semaphore_mem>>)
      } else {
      }
      %scan3A_173 = arith.constant 0 : i32
      %scan3A_174 = arith.constant 0 : i32
      %scan3A_175 = arith.constant 64 : i32
      %scan3A_176 = arith.addi %scan3A_174, %scan3A_175 : i32
      %scan3A_177 = arith.constant 1 : i32
      scf.for %scan3A_240 = %scan3A_174 to %scan3A_176 step %scan3A_177  : i32 {
        %get3A_241 = arith.index_cast %scan3A_240 : i32 to index
        %get3A_242 = arith.constant 0 : index
        %get3A_243 = tpu.vector_load %arg7[%get3A_241, %get3A_242] {strides = array<i32>} : memref<64x128xf32, #tpu.memory_space<vmem>>, vector<1x16xf32>,
        %get3A_244 = vector.shape_cast %get3A_243 : vector<1x16xf32> to vector<16xf32>
        %get3A_245 = arith.index_cast %scan3A_240 : i32 to index
        %get3A_246 = arith.constant 0 : index
        %get3A_247 = tpu.vector_load %arg9[%get3A_245, %get3A_246] {strides = array<i32>} : memref<64x128xf32, #tpu.memory_space<vmem>>, vector<1x16xf32>,
        %get3A_248 = vector.shape_cast %get3A_247 : vector<1x16xf32> to vector<16xf32>
        %add3A_249 = arith.addf %get3A_244, %get3A_248 : vector<16xf32>
        %max3A = arith.constant 0.000000e+00 : f32
        %max3A_250 = vector.broadcast %max3A : f32 to vector<16xf32>
        %max3A_251 = arith.maximumf %add3A_249, %max3A_250 : vector<16xf32>
        %swap3A_252 = arith.index_cast %scan3A_240 : i32 to index
        %swap3A_253 = arith.constant 0 : index
        %swap3A_254 = tpu.vector_load %arg11[%swap3A_252, %swap3A_253] {strides = array<i32>} : memref<64x128xf32, #tpu.memory_space<vmem>>, vector<1x16xf32>,
        %swap3A_255 = vector.shape_cast %swap3A_254 : vector<1x16xf32> to vector<16xf32>
        %swap3A_256 = vector.shape_cast %max3A_251 : vector<16xf32> to vector<1x16xf32>
        tpu.vector_store %arg11[%swap3A_252, %swap3A_253], %swap3A_256 {strides = array<i32>} : memref<64x128xf32, #tpu.memory_space<vmem>>, vector<1x16xf32>,
        %get3A_257 = arith.index_cast %scan3A_240 : i32 to index
        %get3A_258 = arith.constant 16 : index
        %get3A_259 = tpu.vector_load %arg7[%get3A_257, %get3A_258] {strides = array<i32>} : memref<64x128xf32, #tpu.memory_space<vmem>>, vector<1x16xf32>,
        %get3A_260 = vector.shape_cast %get3A_259 : vector<1x16xf32> to vector<16xf32>
        %get3A_261 = arith.index_cast %scan3A_240 : i32 to index
        %get3A_262 = arith.constant 16 : index
        %get3A_263 = tpu.vector_load %arg9[%get3A_261, %get3A_262] {strides = array<i32>} : memref<64x128xf32, #tpu.memory_space<vmem>>, vector<1x16xf32>,
        %get3A_264 = vector.shape_cast %get3A_263 : vector<1x16xf32> to vector<16xf32>
        %add3A_265 = arith.addf %get3A_260, %get3A_264 : vector<16xf32>
        %max3A_266 = arith.constant 0.000000e+00 : f32
        %max3A_267 = vector.broadcast %max3A_266 : f32 to vector<16xf32>
        %max3A_268 = arith.maximumf %add3A_265, %max3A_267 : vector<16xf32>
        %swap3A_269 = arith.index_cast %scan3A_240 : i32 to index
        %swap3A_270 = arith.constant 16 : index
        %swap3A_271 = tpu.vector_load %arg11[%swap3A_269, %swap3A_270] {strides = array<i32>} : memref<64x128xf32, #tpu.memory_space<vmem>>, vector<1x16xf32>,
        %swap3A_272 = vector.shape_cast %swap3A_271 : vector<1x16xf32> to vector<16xf32>
        %swap3A_273 = vector.shape_cast %max3A_268 : vector<16xf32> to vector<1x16xf32>
        tpu.vector_store %arg11[%swap3A_269, %swap3A_270], %swap3A_273 {strides = array<i32>} : memref<64x128xf32, #tpu.memory_space<vmem>>, vector<1x16xf32>,
        %get3A_274 = arith.index_cast %scan3A_240 : i32 to index
        %get3A_275 = arith.constant 32 : index
        %get3A_276 = tpu.vector_load %arg7[%get3A_274, %get3A_275] {strides = array<i32>} : memref<64x128xf32, #tpu.memory_space<vmem>>, vector<1x16xf32>,
        %get3A_277 = vector.shape_cast %get3A_276 : vector<1x16xf32> to vector<16xf32>
        %get3A_278 = arith.index_cast %scan3A_240 : i32 to index
        %get3A_279 = arith.constant 32 : index
        %get3A_280 = tpu.vector_load %arg9[%get3A_278, %get3A_279] {strides = array<i32>} : memref<64x128xf32, #tpu.memory_space<vmem>>, vector<1x16xf32>,
        %get3A_281 = vector.shape_cast %get3A_280 : vector<1x16xf32> to vector<16xf32>
        %add3A_282 = arith.addf %get3A_277, %get3A_281 : vector<16xf32>
        %max3A_283 = arith.constant 0.000000e+00 : f32
        %max3A_284 = vector.broadcast %max3A_283 : f32 to vector<16xf32>
        %max3A_285 = arith.maximumf %add3A_282, %max3A_284 : vector<16xf32>
        %swap3A_286 = arith.index_cast %scan3A_240 : i32 to index
        %swap3A_287 = arith.constant 32 : index
        %swap3A_288 = tpu.vector_load %arg11[%swap3A_286, %swap3A_287] {strides = array<i32>} : memref<64x128xf32, #tpu.memory_space<vmem>>, vector<1x16xf32>,
        %swap3A_289 = vector.shape_cast %swap3A_288 : vector<1x16xf32> to vector<16xf32>
        %swap3A_290 = vector.shape_cast %max3A_285 : vector<16xf32> to vector<1x16xf32>
        tpu.vector_store %arg11[%swap3A_286, %swap3A_287], %swap3A_290 {strides = array<i32>} : memref<64x128xf32, #tpu.memory_space<vmem>>, vector<1x16xf32>,
        %get3A_291 = arith.index_cast %scan3A_240 : i32 to index
        %get3A_292 = arith.constant 48 : index
        %get3A_293 = tpu.vector_load %arg7[%get3A_291, %get3A_292] {strides = array<i32>} : memref<64x128xf32, #tpu.memory_space<vmem>>, vector<1x16xf32>,
        %get3A_294 = vector.shape_cast %get3A_293 : vector<1x16xf32> to vector<16xf32>
        %get3A_295 = arith.index_cast %scan3A_240 : i32 to index
        %get3A_296 = arith.constant 48 : index
        %get3A_297 = tpu.vector_load %arg9[%get3A_295, %get3A_296] {strides = array<i32>} : memref<64x128xf32, #tpu.memory_space<vmem>>, vector<1x16xf32>,
        %get3A_298 = vector.shape_cast %get3A_297 : vector<1x16xf32> to vector<16xf32>
        %add3A_299 = arith.addf %get3A_294, %get3A_298 : vector<16xf32>
        %max3A_300 = arith.constant 0.000000e+00 : f32
        %max3A_301 = vector.broadcast %max3A_300 : f32 to vector<16xf32>
        %max3A_302 = arith.maximumf %add3A_299, %max3A_301 : vector<16xf32>
        %swap3A_303 = arith.index_cast %scan3A_240 : i32 to index
        %swap3A_304 = arith.constant 48 : index
        %swap3A_305 = tpu.vector_load %arg11[%swap3A_303, %swap3A_304] {strides = array<i32>} : memref<64x128xf32, #tpu.memory_space<vmem>>, vector<1x16xf32>,
        %swap3A_306 = vector.shape_cast %swap3A_305 : vector<1x16xf32> to vector<16xf32>
        %swap3A_307 = vector.shape_cast %max3A_302 : vector<16xf32> to vector<1x16xf32>
        tpu.vector_store %arg11[%swap3A_303, %swap3A_304], %swap3A_307 {strides = array<i32>} : memref<64x128xf32, #tpu.memory_space<vmem>>, vector<1x16xf32>,
        %get3A_308 = arith.index_cast %scan3A_240 : i32 to index
        %get3A_309 = arith.constant 64 : index
        %get3A_310 = tpu.vector_load %arg7[%get3A_308, %get3A_309] {strides = array<i32>} : memref<64x128xf32, #tpu.memory_space<vmem>>, vector<1x16xf32>,
        %get3A_311 = vector.shape_cast %get3A_310 : vector<1x16xf32> to vector<16xf32>
        %get3A_312 = arith.index_cast %scan3A_240 : i32 to index
        %get3A_313 = arith.constant 64 : index
        %get3A_314 = tpu.vector_load %arg9[%get3A_312, %get3A_313] {strides = array<i32>} : memref<64x128xf32, #tpu.memory_space<vmem>>, vector<1x16xf32>,
        %get3A_315 = vector.shape_cast %get3A_314 : vector<1x16xf32> to vector<16xf32>
        %add3A_316 = arith.addf %get3A_311, %get3A_315 : vector<16xf32>
        %max3A_317 = arith.constant 0.000000e+00 : f32
        %max3A_318 = vector.broadcast %max3A_317 : f32 to vector<16xf32>
        %max3A_319 = arith.maximumf %add3A_316, %max3A_318 : vector<16xf32>
        %swap3A_320 = arith.index_cast %scan3A_240 : i32 to index
        %swap3A_321 = arith.constant 64 : index
        %swap3A_322 = tpu.vector_load %arg11[%swap3A_320, %swap3A_321] {strides = array<i32>} : memref<64x128xf32, #tpu.memory_space<vmem>>, vector<1x16xf32>,
        %swap3A_323 = vector.shape_cast %swap3A_322 : vector<1x16xf32> to vector<16xf32>
        %swap3A_324 = vector.shape_cast %max3A_319 : vector<16xf32> to vector<1x16xf32>
        tpu.vector_store %arg11[%swap3A_320, %swap3A_321], %swap3A_324 {strides = array<i32>} : memref<64x128xf32, #tpu.memory_space<vmem>>, vector<1x16xf32>,
        %get3A_325 = arith.index_cast %scan3A_240 : i32 to index
        %get3A_326 = arith.constant 80 : index
        %get3A_327 = tpu.vector_load %arg7[%get3A_325, %get3A_326] {strides = array<i32>} : memref<64x128xf32, #tpu.memory_space<vmem>>, vector<1x16xf32>,
        %get3A_328 = vector.shape_cast %get3A_327 : vector<1x16xf32> to vector<16xf32>
        %get3A_329 = arith.index_cast %scan3A_240 : i32 to index
        %get3A_330 = arith.constant 80 : index
        %get3A_331 = tpu.vector_load %arg9[%get3A_329, %get3A_330] {strides = array<i32>} : memref<64x128xf32, #tpu.memory_space<vmem>>, vector<1x16xf32>,
        %get3A_332 = vector.shape_cast %get3A_331 : vector<1x16xf32> to vector<16xf32>
        %add3A_333 = arith.addf %get3A_328, %get3A_332 : vector<16xf32>
        %max3A_334 = arith.constant 0.000000e+00 : f32
        %max3A_335 = vector.broadcast %max3A_334 : f32 to vector<16xf32>
        %max3A_336 = arith.maximumf %add3A_333, %max3A_335 : vector<16xf32>
        %swap3A_337 = arith.index_cast %scan3A_240 : i32 to index
        %swap3A_338 = arith.constant 80 : index
        %swap3A_339 = tpu.vector_load %arg11[%swap3A_337, %swap3A_338] {strides = array<i32>} : memref<64x128xf32, #tpu.memory_space<vmem>>, vector<1x16xf32>,
        %swap3A_340 = vector.shape_cast %swap3A_339 : vector<1x16xf32> to vector<16xf32>
        %swap3A_341 = vector.shape_cast %max3A_336 : vector<16xf32> to vector<1x16xf32>
        tpu.vector_store %arg11[%swap3A_337, %swap3A_338], %swap3A_341 {strides = array<i32>} : memref<64x128xf32, #tpu.memory_space<vmem>>, vector<1x16xf32>,
        %get3A_342 = arith.index_cast %scan3A_240 : i32 to index
        %get3A_343 = arith.constant 96 : index
        %get3A_344 = tpu.vector_load %arg7[%get3A_342, %get3A_343] {strides = array<i32>} : memref<64x128xf32, #tpu.memory_space<vmem>>, vector<1x16xf32>,
        %get3A_345 = vector.shape_cast %get3A_344 : vector<1x16xf32> to vector<16xf32>
        %get3A_346 = arith.index_cast %scan3A_240 : i32 to index
        %get3A_347 = arith.constant 96 : index
        %get3A_348 = tpu.vector_load %arg9[%get3A_346, %get3A_347] {strides = array<i32>} : memref<64x128xf32, #tpu.memory_space<vmem>>, vector<1x16xf32>,
        %get3A_349 = vector.shape_cast %get3A_348 : vector<1x16xf32> to vector<16xf32>
        %add3A_350 = arith.addf %get3A_345, %get3A_349 : vector<16xf32>
        %max3A_351 = arith.constant 0.000000e+00 : f32
        %max3A_352 = vector.broadcast %max3A_351 : f32 to vector<16xf32>
        %max3A_353 = arith.maximumf %add3A_350, %max3A_352 : vector<16xf32>
        %swap3A_354 = arith.index_cast %scan3A_240 : i32 to index
        %swap3A_355 = arith.constant 96 : index
        %swap3A_356 = tpu.vector_load %arg11[%swap3A_354, %swap3A_355] {strides = array<i32>} : memref<64x128xf32, #tpu.memory_space<vmem>>, vector<1x16xf32>,
        %swap3A_357 = vector.shape_cast %swap3A_356 : vector<1x16xf32> to vector<16xf32>
        %swap3A_358 = vector.shape_cast %max3A_353 : vector<16xf32> to vector<1x16xf32>
        tpu.vector_store %arg11[%swap3A_354, %swap3A_355], %swap3A_358 {strides = array<i32>} : memref<64x128xf32, #tpu.memory_space<vmem>>, vector<1x16xf32>,
        %get3A_359 = arith.index_cast %scan3A_240 : i32 to index
        %get3A_360 = arith.constant 112 : index
        %get3A_361 = tpu.vector_load %arg7[%get3A_359, %get3A_360] {strides = array<i32>} : memref<64x128xf32, #tpu.memory_space<vmem>>, vector<1x16xf32>,
        %get3A_362 = vector.shape_cast %get3A_361 : vector<1x16xf32> to vector<16xf32>
        %get3A_363 = arith.index_cast %scan3A_240 : i32 to index
        %get3A_364 = arith.constant 112 : index
        %get3A_365 = tpu.vector_load %arg9[%get3A_363, %get3A_364] {strides = array<i32>} : memref<64x128xf32, #tpu.memory_space<vmem>>, vector<1x16xf32>,
        %get3A_366 = vector.shape_cast %get3A_365 : vector<1x16xf32> to vector<16xf32>
        %add3A_367 = arith.addf %get3A_362, %get3A_366 : vector<16xf32>
        %max3A_368 = arith.constant 0.000000e+00 : f32
        %max3A_369 = vector.broadcast %max3A_368 : f32 to vector<16xf32>
        %max3A_370 = arith.maximumf %add3A_367, %max3A_369 : vector<16xf32>
        %swap3A_371 = arith.index_cast %scan3A_240 : i32 to index
        %swap3A_372 = arith.constant 112 : index
        %swap3A_373 = tpu.vector_load %arg11[%swap3A_371, %swap3A_372] {strides = array<i32>} : memref<64x128xf32, #tpu.memory_space<vmem>>, vector<1x16xf32>,
        %swap3A_374 = vector.shape_cast %swap3A_373 : vector<1x16xf32> to vector<16xf32>
        %swap3A_375 = vector.shape_cast %max3A_370 : vector<16xf32> to vector<1x16xf32>
        tpu.vector_store %arg11[%swap3A_371, %swap3A_372], %swap3A_375 {strides = array<i32>} : memref<64x128xf32, #tpu.memory_space<vmem>>, vector<1x16xf32>,
      }
      %scan3A_178 = arith.constant 64 : i32
      %dma_start3A_179 = arith.constant 0 : i32
      %dma_start3A_180 = arith.constant 0 : i32
      %dma_start3A_181 = tpu.memref_slice %arg21[%dma_start3A_179, %dma_start3A_180] : memref<10048x128xf32, #tpu.memory_space<vmem_shared>> -> memref<10048x128xf32, #tpu.memory_space<vmem_shared>>
      tpu.enqueue_indirect_dma source(%arg11 : memref<64x128xf32, #tpu.memory_space<vmem>>) target(%dma_start3A_181 : memref<10048x128xf32, #tpu.memory_space<vmem_shared>>) offsets(%arg17 : memref<64xi32, #tpu.memory_space<vmem>>) semaphore(%arg26 : memref<!tpu.dma_semaphore, #tpu.memory_space<semaphore_mem>>) {add = true}
      %ge3A_182 = arith.constant 1 : i32
      %ge3A_183 = arith.cmpi sge, %scan3A_120, %ge3A_182 : i32
      %convert_element_type3A_184 = arith.extui %ge3A_183 : i1 to i32
      %cond3A_185 = arith.constant 0 : i32
      %cond3A_186 = arith.cmpi ne, %convert_element_type3A_184, %cond3A_185 : i32
      scf.if %cond3A_186 {
        %dma_wait3A_240 = arith.constant 0 : i32
        %dma_wait3A_241 = arith.constant 0 : i32
        %dma_wait3A_242 = tpu.memref_slice %arg21[%dma_wait3A_240, %dma_wait3A_241] : memref<10048x128xf32, #tpu.memory_space<vmem_shared>> -> memref<10048x128xf32, #tpu.memory_space<vmem_shared>>
        tpu.wait_indirect_dma semaphore(%arg27 : memref<!tpu.dma_semaphore, #tpu.memory_space<semaphore_mem>>) src(%arg12 : memref<64x128xf32, #tpu.memory_space<vmem>>) dst(%dma_wait3A_242 : memref<10048x128xf32, #tpu.memory_space<vmem_shared>>)
      } else {
      }
      %lt3A_187 = arith.constant 77 : i32
      %lt3A_188 = arith.cmpi slt, %scan3A_120, %lt3A_187 : i32
      %convert_element_type3A_189 = arith.extui %lt3A_188 : i1 to i32
      %cond3A_190 = arith.constant 0 : i32
      %cond3A_191 = arith.cmpi ne, %convert_element_type3A_189, %cond3A_190 : i32
      scf.if %cond3A_191 {
        %dma_wait3A_240 = arith.constant 0 : i32
        %dma_wait3A_241 = tpu.memref_slice %arg4[%dma_wait3A_240] : memref<320000xi32, #tpu.memory_space<hbm>> -> memref<64xi32, #tpu.memory_space<hbm>>
        %dma_wait3A_242 = arith.constant 0 : i32
        %dma_wait3A_243 = tpu.memref_slice %arg4[%dma_wait3A_242] : memref<320000xi32, #tpu.memory_space<hbm>> -> memref<64xi32, #tpu.memory_space<hbm>>
        tpu.wait_dma2 semaphore(%arg24 : memref<!tpu.dma_semaphore, #tpu.memory_space<semaphore_mem>>) src(%dma_wait3A_243 : memref<64xi32, #tpu.memory_space<hbm>>) dst(%arg13 : memref<64xi32, #tpu.memory_space<vmem>>)
        %dma_wait3A_244 = arith.constant 0 : i32
        %dma_wait3A_245 = tpu.memref_slice %arg5[%dma_wait3A_244] : memref<320000xi32, #tpu.memory_space<hbm>> -> memref<64xi32, #tpu.memory_space<hbm>>
        %dma_wait3A_246 = arith.constant 0 : i32
        %dma_wait3A_247 = tpu.memref_slice %arg5[%dma_wait3A_246] : memref<320000xi32, #tpu.memory_space<hbm>> -> memref<64xi32, #tpu.memory_space<hbm>>
        tpu.wait_dma2 semaphore(%arg24 : memref<!tpu.dma_semaphore, #tpu.memory_space<semaphore_mem>>) src(%dma_wait3A_247 : memref<64xi32, #tpu.memory_space<hbm>>) dst(%arg15 : memref<64xi32, #tpu.memory_space<vmem>>)
        %dma_start3A_248 = arith.constant 0 : i32
        %dma_start3A_249 = arith.constant 0 : i32
        %dma_start3A_250 = tpu.memref_slice %arg2[%dma_start3A_248, %dma_start3A_249] : memref<10000x128xf32, #tpu.memory_space<hbm>> -> memref<10000x128xf32, #tpu.memory_space<hbm>>
        tpu.enqueue_indirect_dma source(%dma_start3A_250 : memref<10000x128xf32, #tpu.memory_space<hbm>>) target(%arg7 : memref<64x128xf32, #tpu.memory_space<vmem>>) offsets(%arg13 : memref<64xi32, #tpu.memory_space<vmem>>) semaphore(%arg22 : memref<!tpu.dma_semaphore, #tpu.memory_space<semaphore_mem>>)
        %dma_start3A_251 = arith.constant 0 : i32
        %dma_start3A_252 = arith.constant 0 : i32
        %dma_start3A_253 = tpu.memref_slice %arg3[%dma_start3A_251, %dma_start3A_252] : memref<10000x128xf32, #tpu.memory_space<hbm>> -> memref<10000x128xf32, #tpu.memory_space<hbm>>
        tpu.enqueue_indirect_dma source(%dma_start3A_253 : memref<10000x128xf32, #tpu.memory_space<hbm>>) target(%arg9 : memref<64x128xf32, #tpu.memory_space<vmem>>) offsets(%arg15 : memref<64xi32, #tpu.memory_space<vmem>>) semaphore(%arg22 : memref<!tpu.dma_semaphore, #tpu.memory_space<semaphore_mem>>)
      } else {
      }
      %dma_wait3A_192 = arith.constant 0 : i32
      %dma_wait3A_193 = arith.constant 0 : i32
      %dma_wait3A_194 = tpu.memref_slice %arg2[%dma_wait3A_192, %dma_wait3A_193] : memref<10000x128xf32, #tpu.memory_space<hbm>> -> memref<10000x128xf32, #tpu.memory_space<hbm>>
      tpu.wait_indirect_dma semaphore(%arg23 : memref<!tpu.dma_semaphore, #tpu.memory_space<semaphore_mem>>) src(%dma_wait3A_194 : memref<10000x128xf32, #tpu.memory_space<hbm>>) dst(%arg8 : memref<64x128xf32, #tpu.memory_space<vmem>>)
      %dma_wait3A_195 = arith.constant 0 : i32
      %dma_wait3A_196 = arith.constant 0 : i32
      %dma_wait3A_197 = tpu.memref_slice %arg3[%dma_wait3A_195, %dma_wait3A_196] : memref<10000x128xf32, #tpu.memory_space<hbm>> -> memref<10000x128xf32, #tpu.memory_space<hbm>>
      tpu.wait_indirect_dma semaphore(%arg23 : memref<!tpu.dma_semaphore, #tpu.memory_space<semaphore_mem>>) src(%dma_wait3A_197 : memref<10000x128xf32, #tpu.memory_space<hbm>>) dst(%arg10 : memref<64x128xf32, #tpu.memory_space<vmem>>)
      %get3A_198 = arith.constant 0 : index
      %get3A_199 = tpu.vector_load %arg16[%get3A_198] {strides = array<i32>} : memref<64xi32, #tpu.memory_space<vmem>>, vector<16xi32>,
      %get3A_200 = vector.shape_cast %get3A_199 : vector<16xi32> to vector<16xi32>
      %swap3A_201 = arith.constant 0 : index
      %swap3A_202 = tpu.vector_load %arg18[%swap3A_201] {strides = array<i32>} : memref<64xi32, #tpu.memory_space<vmem>>, vector<16xi32>,
      %swap3A_203 = vector.shape_cast %swap3A_202 : vector<16xi32> to vector<16xi32>
      %swap3A_204 = vector.shape_cast %get3A_200 : vector<16xi32> to vector<16xi32>
      tpu.vector_store %arg18[%swap3A_201], %swap3A_204 {strides = array<i32>} : memref<64xi32, #tpu.memory_space<vmem>>, vector<16xi32>,
      %get3A_205 = arith.constant 16 : index
      %get3A_206 = tpu.vector_load %arg16[%get3A_205] {strides = array<i32>} : memref<64xi32, #tpu.memory_space<vmem>>, vector<16xi32>,
      %get3A_207 = vector.shape_cast %get3A_206 : vector<16xi32> to vector<16xi32>
      %swap3A_208 = arith.constant 16 : index
      %swap3A_209 = tpu.vector_load %arg18[%swap3A_208] {strides = array<i32>} : memref<64xi32, #tpu.memory_space<vmem>>, vector<16xi32>,
      %swap3A_210 = vector.shape_cast %swap3A_209 : vector<16xi32> to vector<16xi32>
      %swap3A_211 = vector.shape_cast %get3A_207 : vector<16xi32> to vector<16xi32>
      tpu.vector_store %arg18[%swap3A_208], %swap3A_211 {strides = array<i32>} : memref<64xi32, #tpu.memory_space<vmem>>, vector<16xi32>,
      %get3A_212 = arith.constant 32 : index
      %get3A_213 = tpu.vector_load %arg16[%get3A_212] {strides = array<i32>} : memref<64xi32, #tpu.memory_space<vmem>>, vector<16xi32>,
      %get3A_214 = vector.shape_cast %get3A_213 : vector<16xi32> to vector<16xi32>
      %swap3A_215 = arith.constant 32 : index
      %swap3A_216 = tpu.vector_load %arg18[%swap3A_215] {strides = array<i32>} : memref<64xi32, #tpu.memory_space<vmem>>, vector<16xi32>,
      %swap3A_217 = vector.shape_cast %swap3A_216 : vector<16xi32> to vector<16xi32>
      %swap3A_218 = vector.shape_cast %get3A_214 : vector<16xi32> to vector<16xi32>
      tpu.vector_store %arg18[%swap3A_215], %swap3A_218 {strides = array<i32>} : memref<64xi32, #tpu.memory_space<vmem>>, vector<16xi32>,
      %get3A_219 = arith.constant 48 : index
      %get3A_220 = tpu.vector_load %arg16[%get3A_219] {strides = array<i32>} : memref<64xi32, #tpu.memory_space<vmem>>, vector<16xi32>,
      %get3A_221 = vector.shape_cast %get3A_220 : vector<16xi32> to vector<16xi32>
      %swap3A_222 = arith.constant 48 : index
      %swap3A_223 = tpu.vector_load %arg18[%swap3A_222] {strides = array<i32>} : memref<64xi32, #tpu.memory_space<vmem>>, vector<16xi32>,
      %swap3A_224 = vector.shape_cast %swap3A_223 : vector<16xi32> to vector<16xi32>
      %swap3A_225 = vector.shape_cast %get3A_221 : vector<16xi32> to vector<16xi32>
      tpu.vector_store %arg18[%swap3A_222], %swap3A_225 {strides = array<i32>} : memref<64xi32, #tpu.memory_space<vmem>>, vector<16xi32>,
      %lt3A_226 = arith.constant 77 : i32
      %lt3A_227 = arith.cmpi slt, %scan3A_120, %lt3A_226 : i32
      %convert_element_type3A_228 = arith.extui %lt3A_227 : i1 to i32
      %cond3A_229 = arith.constant 0 : i32
      %cond3A_230 = arith.cmpi ne, %convert_element_type3A_228, %cond3A_229 : i32
      scf.if %cond3A_230 {
        %mul3A_240 = arith.constant 2 : i32
        %mul3A_241 = arith.muli %mul3A_240, %scan3A_120 : i32
        %add3A_242 = arith.constant 3 : i32
        %add3A_243 = arith.addi %mul3A_241, %add3A_242 : i32
        %mul3A_244 = arith.constant 64 : i32
        %mul3A_245 = arith.muli %add3A_243, %mul3A_244 : i32
        %add3A_246 = arith.addi %mul3A_2, %mul3A_245 : i32
        %dma_start3A_247 = tpu.memref_slice %arg4[%add3A_246] : memref<320000xi32, #tpu.memory_space<hbm>> -> memref<64xi32, #tpu.memory_space<hbm>>
        %dma_start3A_248 = tpu.memref_slice %arg4[%add3A_246] : memref<320000xi32, #tpu.memory_space<hbm>> -> memref<64xi32, #tpu.memory_space<hbm>>
        tpu.enqueue_dma source(%dma_start3A_248 : memref<64xi32, #tpu.memory_space<hbm>>) target(%arg14 : memref<64xi32, #tpu.memory_space<vmem>>) target_semaphore(%arg25 : memref<!tpu.dma_semaphore, #tpu.memory_space<semaphore_mem>>)
        %dma_start3A_249 = tpu.memref_slice %arg5[%add3A_246] : memref<320000xi32, #tpu.memory_space<hbm>> -> memref<64xi32, #tpu.memory_space<hbm>>
        %dma_start3A_250 = tpu.memref_slice %arg5[%add3A_246] : memref<320000xi32, #tpu.memory_space<hbm>> -> memref<64xi32, #tpu.memory_space<hbm>>
        tpu.enqueue_dma source(%dma_start3A_250 : memref<64xi32, #tpu.memory_space<hbm>>) target(%arg16 : memref<64xi32, #tpu.memory_space<vmem>>) target_semaphore(%arg25 : memref<!tpu.dma_semaphore, #tpu.memory_space<semaphore_mem>>)
      } else {
      }
      %scan3A_231 = arith.constant 0 : i32
      %scan3A_232 = arith.constant 0 : i32
      %scan3A_233 = arith.constant 64 : i32
      %scan3A_234 = arith.addi %scan3A_232, %scan3A_233 : i32
      %scan3A_235 = arith.constant 1 : i32
      scf.for %scan3A_240 = %scan3A_232 to %scan3A_234 step %scan3A_235  : i32 {
        %get3A_241 = arith.index_cast %scan3A_240 : i32 to index
        %get3A_242 = arith.constant 0 : index
        %get3A_243 = tpu.vector_load %arg8[%get3A_241, %get3A_242] {strides = array<i32>} : memref<64x128xf32, #tpu.memory_space<vmem>>, vector<1x16xf32>,
        %get3A_244 = vector.shape_cast %get3A_243 : vector<1x16xf32> to vector<16xf32>
        %get3A_245 = arith.index_cast %scan3A_240 : i32 to index
        %get3A_246 = arith.constant 0 : index
        %get3A_247 = tpu.vector_load %arg10[%get3A_245, %get3A_246] {strides = array<i32>} : memref<64x128xf32, #tpu.memory_space<vmem>>, vector<1x16xf32>,
        %get3A_248 = vector.shape_cast %get3A_247 : vector<1x16xf32> to vector<16xf32>
        %add3A_249 = arith.addf %get3A_244, %get3A_248 : vector<16xf32>
        %max3A = arith.constant 0.000000e+00 : f32
        %max3A_250 = vector.broadcast %max3A : f32 to vector<16xf32>
        %max3A_251 = arith.maximumf %add3A_249, %max3A_250 : vector<16xf32>
        %swap3A_252 = arith.index_cast %scan3A_240 : i32 to index
        %swap3A_253 = arith.constant 0 : index
        %swap3A_254 = tpu.vector_load %arg12[%swap3A_252, %swap3A_253] {strides = array<i32>} : memref<64x128xf32, #tpu.memory_space<vmem>>, vector<1x16xf32>,
        %swap3A_255 = vector.shape_cast %swap3A_254 : vector<1x16xf32> to vector<16xf32>
        %swap3A_256 = vector.shape_cast %max3A_251 : vector<16xf32> to vector<1x16xf32>
        tpu.vector_store %arg12[%swap3A_252, %swap3A_253], %swap3A_256 {strides = array<i32>} : memref<64x128xf32, #tpu.memory_space<vmem>>, vector<1x16xf32>,
        %get3A_257 = arith.index_cast %scan3A_240 : i32 to index
        %get3A_258 = arith.constant 16 : index
        %get3A_259 = tpu.vector_load %arg8[%get3A_257, %get3A_258] {strides = array<i32>} : memref<64x128xf32, #tpu.memory_space<vmem>>, vector<1x16xf32>,
        %get3A_260 = vector.shape_cast %get3A_259 : vector<1x16xf32> to vector<16xf32>
        %get3A_261 = arith.index_cast %scan3A_240 : i32 to index
        %get3A_262 = arith.constant 16 : index
        %get3A_263 = tpu.vector_load %arg10[%get3A_261, %get3A_262] {strides = array<i32>} : memref<64x128xf32, #tpu.memory_space<vmem>>, vector<1x16xf32>,
        %get3A_264 = vector.shape_cast %get3A_263 : vector<1x16xf32> to vector<16xf32>
        %add3A_265 = arith.addf %get3A_260, %get3A_264 : vector<16xf32>
        %max3A_266 = arith.constant 0.000000e+00 : f32
        %max3A_267 = vector.broadcast %max3A_266 : f32 to vector<16xf32>
        %max3A_268 = arith.maximumf %add3A_265, %max3A_267 : vector<16xf32>
        %swap3A_269 = arith.index_cast %scan3A_240 : i32 to index
        %swap3A_270 = arith.constant 16 : index
        %swap3A_271 = tpu.vector_load %arg12[%swap3A_269, %swap3A_270] {strides = array<i32>} : memref<64x128xf32, #tpu.memory_space<vmem>>, vector<1x16xf32>,
        %swap3A_272 = vector.shape_cast %swap3A_271 : vector<1x16xf32> to vector<16xf32>
        %swap3A_273 = vector.shape_cast %max3A_268 : vector<16xf32> to vector<1x16xf32>
        tpu.vector_store %arg12[%swap3A_269, %swap3A_270], %swap3A_273 {strides = array<i32>} : memref<64x128xf32, #tpu.memory_space<vmem>>, vector<1x16xf32>,
        %get3A_274 = arith.index_cast %scan3A_240 : i32 to index
        %get3A_275 = arith.constant 32 : index
        %get3A_276 = tpu.vector_load %arg8[%get3A_274, %get3A_275] {strides = array<i32>} : memref<64x128xf32, #tpu.memory_space<vmem>>, vector<1x16xf32>,
        %get3A_277 = vector.shape_cast %get3A_276 : vector<1x16xf32> to vector<16xf32>
        %get3A_278 = arith.index_cast %scan3A_240 : i32 to index
        %get3A_279 = arith.constant 32 : index
        %get3A_280 = tpu.vector_load %arg10[%get3A_278, %get3A_279] {strides = array<i32>} : memref<64x128xf32, #tpu.memory_space<vmem>>, vector<1x16xf32>,
        %get3A_281 = vector.shape_cast %get3A_280 : vector<1x16xf32> to vector<16xf32>
        %add3A_282 = arith.addf %get3A_277, %get3A_281 : vector<16xf32>
        %max3A_283 = arith.constant 0.000000e+00 : f32
        %max3A_284 = vector.broadcast %max3A_283 : f32 to vector<16xf32>
        %max3A_285 = arith.maximumf %add3A_282, %max3A_284 : vector<16xf32>
        %swap3A_286 = arith.index_cast %scan3A_240 : i32 to index
        %swap3A_287 = arith.constant 32 : index
        %swap3A_288 = tpu.vector_load %arg12[%swap3A_286, %swap3A_287] {strides = array<i32>} : memref<64x128xf32, #tpu.memory_space<vmem>>, vector<1x16xf32>,
        %swap3A_289 = vector.shape_cast %swap3A_288 : vector<1x16xf32> to vector<16xf32>
        %swap3A_290 = vector.shape_cast %max3A_285 : vector<16xf32> to vector<1x16xf32>
        tpu.vector_store %arg12[%swap3A_286, %swap3A_287], %swap3A_290 {strides = array<i32>} : memref<64x128xf32, #tpu.memory_space<vmem>>, vector<1x16xf32>,
        %get3A_291 = arith.index_cast %scan3A_240 : i32 to index
        %get3A_292 = arith.constant 48 : index
        %get3A_293 = tpu.vector_load %arg8[%get3A_291, %get3A_292] {strides = array<i32>} : memref<64x128xf32, #tpu.memory_space<vmem>>, vector<1x16xf32>,
        %get3A_294 = vector.shape_cast %get3A_293 : vector<1x16xf32> to vector<16xf32>
        %get3A_295 = arith.index_cast %scan3A_240 : i32 to index
        %get3A_296 = arith.constant 48 : index
        %get3A_297 = tpu.vector_load %arg10[%get3A_295, %get3A_296] {strides = array<i32>} : memref<64x128xf32, #tpu.memory_space<vmem>>, vector<1x16xf32>,
        %get3A_298 = vector.shape_cast %get3A_297 : vector<1x16xf32> to vector<16xf32>
        %add3A_299 = arith.addf %get3A_294, %get3A_298 : vector<16xf32>
        %max3A_300 = arith.constant 0.000000e+00 : f32
        %max3A_301 = vector.broadcast %max3A_300 : f32 to vector<16xf32>
        %max3A_302 = arith.maximumf %add3A_299, %max3A_301 : vector<16xf32>
        %swap3A_303 = arith.index_cast %scan3A_240 : i32 to index
        %swap3A_304 = arith.constant 48 : index
        %swap3A_305 = tpu.vector_load %arg12[%swap3A_303, %swap3A_304] {strides = array<i32>} : memref<64x128xf32, #tpu.memory_space<vmem>>, vector<1x16xf32>,
        %swap3A_306 = vector.shape_cast %swap3A_305 : vector<1x16xf32> to vector<16xf32>
        %swap3A_307 = vector.shape_cast %max3A_302 : vector<16xf32> to vector<1x16xf32>
        tpu.vector_store %arg12[%swap3A_303, %swap3A_304], %swap3A_307 {strides = array<i32>} : memref<64x128xf32, #tpu.memory_space<vmem>>, vector<1x16xf32>,
        %get3A_308 = arith.index_cast %scan3A_240 : i32 to index
        %get3A_309 = arith.constant 64 : index
        %get3A_310 = tpu.vector_load %arg8[%get3A_308, %get3A_309] {strides = array<i32>} : memref<64x128xf32, #tpu.memory_space<vmem>>, vector<1x16xf32>,
        %get3A_311 = vector.shape_cast %get3A_310 : vector<1x16xf32> to vector<16xf32>
        %get3A_312 = arith.index_cast %scan3A_240 : i32 to index
        %get3A_313 = arith.constant 64 : index
        %get3A_314 = tpu.vector_load %arg10[%get3A_312, %get3A_313] {strides = array<i32>} : memref<64x128xf32, #tpu.memory_space<vmem>>, vector<1x16xf32>,
        %get3A_315 = vector.shape_cast %get3A_314 : vector<1x16xf32> to vector<16xf32>
        %add3A_316 = arith.addf %get3A_311, %get3A_315 : vector<16xf32>
        %max3A_317 = arith.constant 0.000000e+00 : f32
        %max3A_318 = vector.broadcast %max3A_317 : f32 to vector<16xf32>
        %max3A_319 = arith.maximumf %add3A_316, %max3A_318 : vector<16xf32>
        %swap3A_320 = arith.index_cast %scan3A_240 : i32 to index
        %swap3A_321 = arith.constant 64 : index
        %swap3A_322 = tpu.vector_load %arg12[%swap3A_320, %swap3A_321] {strides = array<i32>} : memref<64x128xf32, #tpu.memory_space<vmem>>, vector<1x16xf32>,
        %swap3A_323 = vector.shape_cast %swap3A_322 : vector<1x16xf32> to vector<16xf32>
        %swap3A_324 = vector.shape_cast %max3A_319 : vector<16xf32> to vector<1x16xf32>
        tpu.vector_store %arg12[%swap3A_320, %swap3A_321], %swap3A_324 {strides = array<i32>} : memref<64x128xf32, #tpu.memory_space<vmem>>, vector<1x16xf32>,
        %get3A_325 = arith.index_cast %scan3A_240 : i32 to index
        %get3A_326 = arith.constant 80 : index
        %get3A_327 = tpu.vector_load %arg8[%get3A_325, %get3A_326] {strides = array<i32>} : memref<64x128xf32, #tpu.memory_space<vmem>>, vector<1x16xf32>,
        %get3A_328 = vector.shape_cast %get3A_327 : vector<1x16xf32> to vector<16xf32>
        %get3A_329 = arith.index_cast %scan3A_240 : i32 to index
        %get3A_330 = arith.constant 80 : index
        %get3A_331 = tpu.vector_load %arg10[%get3A_329, %get3A_330] {strides = array<i32>} : memref<64x128xf32, #tpu.memory_space<vmem>>, vector<1x16xf32>,
        %get3A_332 = vector.shape_cast %get3A_331 : vector<1x16xf32> to vector<16xf32>
        %add3A_333 = arith.addf %get3A_328, %get3A_332 : vector<16xf32>
        %max3A_334 = arith.constant 0.000000e+00 : f32
        %max3A_335 = vector.broadcast %max3A_334 : f32 to vector<16xf32>
        %max3A_336 = arith.maximumf %add3A_333, %max3A_335 : vector<16xf32>
        %swap3A_337 = arith.index_cast %scan3A_240 : i32 to index
        %swap3A_338 = arith.constant 80 : index
        %swap3A_339 = tpu.vector_load %arg12[%swap3A_337, %swap3A_338] {strides = array<i32>} : memref<64x128xf32, #tpu.memory_space<vmem>>, vector<1x16xf32>,
        %swap3A_340 = vector.shape_cast %swap3A_339 : vector<1x16xf32> to vector<16xf32>
        %swap3A_341 = vector.shape_cast %max3A_336 : vector<16xf32> to vector<1x16xf32>
        tpu.vector_store %arg12[%swap3A_337, %swap3A_338], %swap3A_341 {strides = array<i32>} : memref<64x128xf32, #tpu.memory_space<vmem>>, vector<1x16xf32>,
        %get3A_342 = arith.index_cast %scan3A_240 : i32 to index
        %get3A_343 = arith.constant 96 : index
        %get3A_344 = tpu.vector_load %arg8[%get3A_342, %get3A_343] {strides = array<i32>} : memref<64x128xf32, #tpu.memory_space<vmem>>, vector<1x16xf32>,
        %get3A_345 = vector.shape_cast %get3A_344 : vector<1x16xf32> to vector<16xf32>
        %get3A_346 = arith.index_cast %scan3A_240 : i32 to index
        %get3A_347 = arith.constant 96 : index
        %get3A_348 = tpu.vector_load %arg10[%get3A_346, %get3A_347] {strides = array<i32>} : memref<64x128xf32, #tpu.memory_space<vmem>>, vector<1x16xf32>,
        %get3A_349 = vector.shape_cast %get3A_348 : vector<1x16xf32> to vector<16xf32>
        %add3A_350 = arith.addf %get3A_345, %get3A_349 : vector<16xf32>
        %max3A_351 = arith.constant 0.000000e+00 : f32
        %max3A_352 = vector.broadcast %max3A_351 : f32 to vector<16xf32>
        %max3A_353 = arith.maximumf %add3A_350, %max3A_352 : vector<16xf32>
        %swap3A_354 = arith.index_cast %scan3A_240 : i32 to index
        %swap3A_355 = arith.constant 96 : index
        %swap3A_356 = tpu.vector_load %arg12[%swap3A_354, %swap3A_355] {strides = array<i32>} : memref<64x128xf32, #tpu.memory_space<vmem>>, vector<1x16xf32>,
        %swap3A_357 = vector.shape_cast %swap3A_356 : vector<1x16xf32> to vector<16xf32>
        %swap3A_358 = vector.shape_cast %max3A_353 : vector<16xf32> to vector<1x16xf32>
        tpu.vector_store %arg12[%swap3A_354, %swap3A_355], %swap3A_358 {strides = array<i32>} : memref<64x128xf32, #tpu.memory_space<vmem>>, vector<1x16xf32>,
        %get3A_359 = arith.index_cast %scan3A_240 : i32 to index
        %get3A_360 = arith.constant 112 : index
        %get3A_361 = tpu.vector_load %arg8[%get3A_359, %get3A_360] {strides = array<i32>} : memref<64x128xf32, #tpu.memory_space<vmem>>, vector<1x16xf32>,
        %get3A_362 = vector.shape_cast %get3A_361 : vector<1x16xf32> to vector<16xf32>
        %get3A_363 = arith.index_cast %scan3A_240 : i32 to index
        %get3A_364 = arith.constant 112 : index
        %get3A_365 = tpu.vector_load %arg10[%get3A_363, %get3A_364] {strides = array<i32>} : memref<64x128xf32, #tpu.memory_space<vmem>>, vector<1x16xf32>,
        %get3A_366 = vector.shape_cast %get3A_365 : vector<1x16xf32> to vector<16xf32>
        %add3A_367 = arith.addf %get3A_362, %get3A_366 : vector<16xf32>
        %max3A_368 = arith.constant 0.000000e+00 : f32
        %max3A_369 = vector.broadcast %max3A_368 : f32 to vector<16xf32>
        %max3A_370 = arith.maximumf %add3A_367, %max3A_369 : vector<16xf32>
        %swap3A_371 = arith.index_cast %scan3A_240 : i32 to index
        %swap3A_372 = arith.constant 112 : index
        %swap3A_373 = tpu.vector_load %arg12[%swap3A_371, %swap3A_372] {strides = array<i32>} : memref<64x128xf32, #tpu.memory_space<vmem>>, vector<1x16xf32>,
        %swap3A_374 = vector.shape_cast %swap3A_373 : vector<1x16xf32> to vector<16xf32>
        %swap3A_375 = vector.shape_cast %max3A_370 : vector<16xf32> to vector<1x16xf32>
        tpu.vector_store %arg12[%swap3A_371, %swap3A_372], %swap3A_375 {strides = array<i32>} : memref<64x128xf32, #tpu.memory_space<vmem>>, vector<1x16xf32>,
      }
      %scan3A_236 = arith.constant 64 : i32
      %dma_start3A_237 = arith.constant 0 : i32
      %dma_start3A_238 = arith.constant 0 : i32
      %dma_start3A_239 = tpu.memref_slice %arg21[%dma_start3A_237, %dma_start3A_238] : memref<10048x128xf32, #tpu.memory_space<vmem_shared>> -> memref<10048x128xf32, #tpu.memory_space<vmem_shared>>
      tpu.enqueue_indirect_dma source(%arg12 : memref<64x128xf32, #tpu.memory_space<vmem>>) target(%dma_start3A_239 : memref<10048x128xf32, #tpu.memory_space<vmem_shared>>) offsets(%arg18 : memref<64xi32, #tpu.memory_space<vmem>>) semaphore(%arg27 : memref<!tpu.dma_semaphore, #tpu.memory_space<semaphore_mem>>) {add = true}
    }
    %scan3A_102 = arith.constant 78 : i32
    %dma_wait3A_103 = arith.constant 0 : i32
    %dma_wait3A_104 = arith.constant 0 : i32
    %dma_wait3A_105 = tpu.memref_slice %arg21[%dma_wait3A_103, %dma_wait3A_104] : memref<10048x128xf32, #tpu.memory_space<vmem_shared>> -> memref<10048x128xf32, #tpu.memory_space<vmem_shared>>
    tpu.wait_indirect_dma semaphore(%arg26 : memref<!tpu.dma_semaphore, #tpu.memory_space<semaphore_mem>>) src(%arg11 : memref<64x128xf32, #tpu.memory_space<vmem>>) dst(%dma_wait3A_105 : memref<10048x128xf32, #tpu.memory_space<vmem_shared>>)
    %dma_wait3A_106 = arith.constant 0 : i32
    %dma_wait3A_107 = arith.constant 0 : i32
    %dma_wait3A_108 = tpu.memref_slice %arg21[%dma_wait3A_106, %dma_wait3A_107] : memref<10048x128xf32, #tpu.memory_space<vmem_shared>> -> memref<10048x128xf32, #tpu.memory_space<vmem_shared>>
    tpu.wait_indirect_dma semaphore(%arg27 : memref<!tpu.dma_semaphore, #tpu.memory_space<semaphore_mem>>) src(%arg12 : memref<64x128xf32, #tpu.memory_space<vmem>>) dst(%dma_wait3A_108 : memref<10048x128xf32, #tpu.memory_space<vmem_shared>>)
    %barrier3A_109 = arith.constant 0 : index
    tpu.barrier barrier_id(%barrier3A_109)
    %while3A_110 = arith.constant 0 : i32
    %while3A_111 = arith.constant 0 : i32
    %while3A_112 = arith.subi %select_n3A, %while3A_111 : i32
    %while3A_113 = arith.addi %while3A_111, %while3A_112 : i32
    %while3A_114 = arith.constant 1 : i32
    %while3A_115 = arith.divsi %while3A_112, %while3A_114 : i32
    %while3A_116 = arith.muli %while3A_115, %while3A_114 : i32
    %while3A_117 = arith.addi %while3A_111, %while3A_116 : i32
    %while3A_118 = arith.constant 1 : i32
    scf.for %while3A_120 = %while3A_111 to %while3A_117 step %while3A_118  : i32 {
      %mul3A_121 = arith.constant 16 : i32
      %mul3A_122 = arith.muli %while3A_120, %mul3A_121 : i32
      %add3A_123 = arith.addi %arg1, %mul3A_122 : i32
      %mul3A_124 = arith.constant 64 : i32
      %mul3A_125 = arith.muli %add3A_123, %mul3A_124 : i32
      "tpu.region"() ({
        %run_scoped3A = tpu.sem_alloc : memref<!tpu.dma_semaphore, #tpu.memory_space<semaphore_mem>>
        %dma_start3A_126 = arith.constant 0 : i32
        %dma_start3A_127 = tpu.memref_slice %arg21[%mul3A_125, %dma_start3A_126] : memref<10048x128xf32, #tpu.memory_space<vmem_shared>> -> memref<64x128xf32, #tpu.memory_space<vmem_shared>>
        %dma_start3A_128 = arith.constant 0 : i32
        %dma_start3A_129 = tpu.memref_slice %arg21[%mul3A_125, %dma_start3A_128] : memref<10048x128xf32, #tpu.memory_space<vmem_shared>> -> memref<64x128xf32, #tpu.memory_space<vmem_shared>>
        tpu.enqueue_dma source(%dma_start3A_129 : memref<64x128xf32, #tpu.memory_space<vmem_shared>>) target(%arg11 : memref<64x128xf32, #tpu.memory_space<vmem>>) target_semaphore(%run_scoped3A : memref<!tpu.dma_semaphore, #tpu.memory_space<semaphore_mem>>)
        %dma_wait3A_130 = arith.constant 0 : i32
        %dma_wait3A_131 = tpu.memref_slice %arg21[%mul3A_125, %dma_wait3A_130] : memref<10048x128xf32, #tpu.memory_space<vmem_shared>> -> memref<64x128xf32, #tpu.memory_space<vmem_shared>>
        %dma_wait3A_132 = arith.constant 0 : i32
        %dma_wait3A_133 = tpu.memref_slice %arg21[%mul3A_125, %dma_wait3A_132] : memref<10048x128xf32, #tpu.memory_space<vmem_shared>> -> memref<64x128xf32, #tpu.memory_space<vmem_shared>>
        tpu.wait_dma2 semaphore(%run_scoped3A : memref<!tpu.dma_semaphore, #tpu.memory_space<semaphore_mem>>) src(%dma_wait3A_133 : memref<64x128xf32, #tpu.memory_space<vmem_shared>>) dst(%arg11 : memref<64x128xf32, #tpu.memory_space<vmem>>)
        tpu.yield
      }) : () -> ()
      "tpu.region"() ({
        %run_scoped3A = tpu.sem_alloc : memref<!tpu.dma_semaphore, #tpu.memory_space<semaphore_mem>>
        %dma_start3A_126 = arith.constant 0 : i32
        %dma_start3A_127 = tpu.memref_slice %arg6[%arg0, %mul3A_125, %dma_start3A_126] : memref<2x10048x128xf32, #tpu.memory_space<hbm>> -> memref<1x64x128xf32, #tpu.memory_space<hbm>>
        %dma_start3A_128 = tpu.memref_squeeze %dma_start3A_127 : memref<1x64x128xf32, #tpu.memory_space<hbm>> -> memref<64x128xf32, #tpu.memory_space<hbm>>
        %dma_start3A_129 = arith.constant 0 : i32
        %dma_start3A_130 = tpu.memref_slice %arg6[%arg0, %mul3A_125, %dma_start3A_129] : memref<2x10048x128xf32, #tpu.memory_space<hbm>> -> memref<1x64x128xf32, #tpu.memory_space<hbm>>
        %dma_start3A_131 = tpu.memref_squeeze %dma_start3A_130 : memref<1x64x128xf32, #tpu.memory_space<hbm>> -> memref<64x128xf32, #tpu.memory_space<hbm>>
        tpu.enqueue_dma source(%arg11 : memref<64x128xf32, #tpu.memory_space<vmem>>) target(%dma_start3A_131 : memref<64x128xf32, #tpu.memory_space<hbm>>) target_semaphore(%run_scoped3A : memref<!tpu.dma_semaphore, #tpu.memory_space<semaphore_mem>>)
        %dma_wait3A_132 = arith.constant 0 : i32
        %dma_wait3A_133 = tpu.memref_slice %arg6[%arg0, %mul3A_125, %dma_wait3A_132] : memref<2x10048x128xf32, #tpu.memory_space<hbm>> -> memref<1x64x128xf32, #tpu.memory_space<hbm>>
        %dma_wait3A_134 = tpu.memref_squeeze %dma_wait3A_133 : memref<1x64x128xf32, #tpu.memory_space<hbm>> -> memref<64x128xf32, #tpu.memory_space<hbm>>
        %dma_wait3A_135 = arith.constant 0 : i32
        %dma_wait3A_136 = tpu.memref_slice %arg6[%arg0, %mul3A_125, %dma_wait3A_135] : memref<2x10048x128xf32, #tpu.memory_space<hbm>> -> memref<1x64x128xf32, #tpu.memory_space<hbm>>
        %dma_wait3A_137 = tpu.memref_squeeze %dma_wait3A_136 : memref<1x64x128xf32, #tpu.memory_space<hbm>> -> memref<64x128xf32, #tpu.memory_space<hbm>>
        tpu.wait_dma2 semaphore(%run_scoped3A : memref<!tpu.dma_semaphore, #tpu.memory_space<semaphore_mem>>) src(%arg11 : memref<64x128xf32, #tpu.memory_space<vmem>>) dst(%dma_wait3A_137 : memref<64x128xf32, #tpu.memory_space<hbm>>)
        tpu.yield
      }) : () -> ()
    }
    %while3A_119 = arith.constant 1 : i32
    scf.for %while3A_120 = %while3A_117 to %while3A_113 step %while3A_119  : i32 {
      %mul3A_121 = arith.constant 16 : i32
      %mul3A_122 = arith.muli %while3A_120, %mul3A_121 : i32
      %add3A_123 = arith.addi %arg1, %mul3A_122 : i32
      %mul3A_124 = arith.constant 64 : i32
      %mul3A_125 = arith.muli %add3A_123, %mul3A_124 : i32
      "tpu.region"() ({
        %run_scoped3A = tpu.sem_alloc : memref<!tpu.dma_semaphore, #tpu.memory_space<semaphore_mem>>
        %dma_start3A_126 = arith.constant 0 : i32
        %dma_start3A_127 = tpu.memref_slice %arg21[%mul3A_125, %dma_start3A_126] : memref<10048x128xf32, #tpu.memory_space<vmem_shared>> -> memref<64x128xf32, #tpu.memory_space<vmem_shared>>
        %dma_start3A_128 = arith.constant 0 : i32
        %dma_start3A_129 = tpu.memref_slice %arg21[%mul3A_125, %dma_start3A_128] : memref<10048x128xf32, #tpu.memory_space<vmem_shared>> -> memref<64x128xf32, #tpu.memory_space<vmem_shared>>
        tpu.enqueue_dma source(%dma_start3A_129 : memref<64x128xf32, #tpu.memory_space<vmem_shared>>) target(%arg11 : memref<64x128xf32, #tpu.memory_space<vmem>>) target_semaphore(%run_scoped3A : memref<!tpu.dma_semaphore, #tpu.memory_space<semaphore_mem>>)
        %dma_wait3A_130 = arith.constant 0 : i32
        %dma_wait3A_131 = tpu.memref_slice %arg21[%mul3A_125, %dma_wait3A_130] : memref<10048x128xf32, #tpu.memory_space<vmem_shared>> -> memref<64x128xf32, #tpu.memory_space<vmem_shared>>
        %dma_wait3A_132 = arith.constant 0 : i32
        %dma_wait3A_133 = tpu.memref_slice %arg21[%mul3A_125, %dma_wait3A_132] : memref<10048x128xf32, #tpu.memory_space<vmem_shared>> -> memref<64x128xf32, #tpu.memory_space<vmem_shared>>
        tpu.wait_dma2 semaphore(%run_scoped3A : memref<!tpu.dma_semaphore, #tpu.memory_space<semaphore_mem>>) src(%dma_wait3A_133 : memref<64x128xf32, #tpu.memory_space<vmem_shared>>) dst(%arg11 : memref<64x128xf32, #tpu.memory_space<vmem>>)
        tpu.yield
      }) : () -> ()
      "tpu.region"() ({
        %run_scoped3A = tpu.sem_alloc : memref<!tpu.dma_semaphore, #tpu.memory_space<semaphore_mem>>
        %dma_start3A_126 = arith.constant 0 : i32
        %dma_start3A_127 = tpu.memref_slice %arg6[%arg0, %mul3A_125, %dma_start3A_126] : memref<2x10048x128xf32, #tpu.memory_space<hbm>> -> memref<1x64x128xf32, #tpu.memory_space<hbm>>
        %dma_start3A_128 = tpu.memref_squeeze %dma_start3A_127 : memref<1x64x128xf32, #tpu.memory_space<hbm>> -> memref<64x128xf32, #tpu.memory_space<hbm>>
        %dma_start3A_129 = arith.constant 0 : i32
        %dma_start3A_130 = tpu.memref_slice %arg6[%arg0, %mul3A_125, %dma_start3A_129] : memref<2x10048x128xf32, #tpu.memory_space<hbm>> -> memref<1x64x128xf32, #tpu.memory_space<hbm>>
        %dma_start3A_131 = tpu.memref_squeeze %dma_start3A_130 : memref<1x64x128xf32, #tpu.memory_space<hbm>> -> memref<64x128xf32, #tpu.memory_space<hbm>>
        tpu.enqueue_dma source(%arg11 : memref<64x128xf32, #tpu.memory_space<vmem>>) target(%dma_start3A_131 : memref<64x128xf32, #tpu.memory_space<hbm>>) target_semaphore(%run_scoped3A : memref<!tpu.dma_semaphore, #tpu.memory_space<semaphore_mem>>)
        %dma_wait3A_132 = arith.constant 0 : i32
        %dma_wait3A_133 = tpu.memref_slice %arg6[%arg0, %mul3A_125, %dma_wait3A_132] : memref<2x10048x128xf32, #tpu.memory_space<hbm>> -> memref<1x64x128xf32, #tpu.memory_space<hbm>>
        %dma_wait3A_134 = tpu.memref_squeeze %dma_wait3A_133 : memref<1x64x128xf32, #tpu.memory_space<hbm>> -> memref<64x128xf32, #tpu.memory_space<hbm>>
        %dma_wait3A_135 = arith.constant 0 : i32
        %dma_wait3A_136 = tpu.memref_slice %arg6[%arg0, %mul3A_125, %dma_wait3A_135] : memref<2x10048x128xf32, #tpu.memory_space<hbm>> -> memref<1x64x128xf32, #tpu.memory_space<hbm>>
        %dma_wait3A_137 = tpu.memref_squeeze %dma_wait3A_136 : memref<1x64x128xf32, #tpu.memory_space<hbm>> -> memref<64x128xf32, #tpu.memory_space<hbm>>
        tpu.wait_dma2 semaphore(%run_scoped3A : memref<!tpu.dma_semaphore, #tpu.memory_space<semaphore_mem>>) src(%arg11 : memref<64x128xf32, #tpu.memory_space<vmem>>) dst(%dma_wait3A_137 : memref<64x128xf32, #tpu.memory_space<hbm>>)
        tpu.yield
      }) : () -> ()
    }
    return
  }
}

module attributes {stable_mosaic.version = 14 : i64} {
  func.func @_proj_body(%arg0: i32, %arg1: memref<1000x128xf32, #tpu.memory_space<vmem>>, %arg2: memref<1000x128xf32, #tpu.memory_space<vmem>>, %arg3: memref<128x384xf32, #tpu.memory_space<vmem>>, %arg4: memref<128x384xf32, #tpu.memory_space<vmem>>, %arg5: memref<1000x128xf32, #tpu.memory_space<vmem>>, %arg6: memref<1000x128xf32, #tpu.memory_space<vmem>>, %arg7: memref<1000x128xf32, #tpu.memory_space<vmem>>) attributes {dimension_semantics = [#tpu.dimension_semantics<arbitrary>], iteration_bounds = array<i64: 10>, scalar_prefetch = 0 : i64, scratch_operands = 0 : i64, tpu.core_type = #tpu.core_type<tc>, window_params = [{transform_indices = @transform_0, window_bounds = array<i64: 1000, 128>}, {transform_indices = @transform_1, window_bounds = array<i64: 1000, 128>}, {pipeline_mode = #tpu.pipeline_mode<synchronous>, transform_indices = @transform_2, window_bounds = array<i64: 128, 384>}, {pipeline_mode = #tpu.pipeline_mode<synchronous>, transform_indices = @transform_3, window_bounds = array<i64: 128, 384>}, {transform_indices = @transform_4, window_bounds = array<i64: 1000, 128>}, {transform_indices = @transform_5, window_bounds = array<i64: 1000, 128>}, {transform_indices = @transform_6, window_bounds = array<i64: 1000, 128>}]} {
    %get3A = arith.constant 0 : index
    %get3A_0 = arith.constant 0 : index
    %get3A_1 = vector.load %arg1[%get3A, %get3A_0] : memref<1000x128xf32, #tpu.memory_space<vmem>>, vector<1000x128xf32>
    %get3A_2 = arith.constant 0 : index
    %get3A_3 = arith.constant 0 : index
    %get3A_4 = vector.load %arg3[%get3A_2, %get3A_3] : memref<128x384xf32, #tpu.memory_space<vmem>>, vector<128x384xf32>
    %dot_general3A = arith.constant dense<0.000000e+00> : vector<1000x384xf32>
    %dot_general3A_5 = tpu.matmul %get3A_1, %get3A_4, %dot_general3A {dimension_numbers = #tpu.dot_dimension_numbers<[1], [0], [0], [1], [0, 0, 1, 1], [], []>, transpose_lhs_hint = false} : vector<1000x128xf32>, vector<128x384xf32>, vector<1000x384xf32> -> vector<1000x384xf32>
    %get3A_6 = arith.constant 0 : index
    %get3A_7 = arith.constant 0 : index
    %get3A_8 = vector.load %arg2[%get3A_6, %get3A_7] : memref<1000x128xf32, #tpu.memory_space<vmem>>, vector<1000x128xf32>
    %get3A_9 = arith.constant 0 : index
    %get3A_10 = arith.constant 0 : index
    %get3A_11 = vector.load %arg4[%get3A_9, %get3A_10] : memref<128x384xf32, #tpu.memory_space<vmem>>, vector<128x384xf32>
    %dot_general3A_12 = arith.constant dense<0.000000e+00> : vector<1000x384xf32>
    %dot_general3A_13 = tpu.matmul %get3A_8, %get3A_11, %dot_general3A_12 {dimension_numbers = #tpu.dot_dimension_numbers<[1], [0], [0], [1], [0, 0, 1, 1], [], []>, transpose_lhs_hint = false} : vector<1000x128xf32>, vector<128x384xf32>, vector<1000x384xf32> -> vector<1000x384xf32>
    %add3A = arith.addf %dot_general3A_5, %dot_general3A_13 : vector<1000x384xf32>
    %slice3A = vector.extract_strided_slice %add3A {offsets = [0, 0], sizes = [1000, 128], strides = [1, 1]} : vector<1000x384xf32> to vector<1000x128xf32>
    %swap3A = arith.constant 0 : index
    %swap3A_14 = arith.constant 0 : index
    %swap3A_15 = vector.load %arg5[%swap3A, %swap3A_14] : memref<1000x128xf32, #tpu.memory_space<vmem>>, vector<1000x128xf32>
    tpu.vector_store %arg5[%swap3A, %swap3A_14], %slice3A {strides = array<i32>} : memref<1000x128xf32, #tpu.memory_space<vmem>>, vector<1000x128xf32>,
    %slice3A_16 = vector.extract_strided_slice %add3A {offsets = [0, 128], sizes = [1000, 128], strides = [1, 1]} : vector<1000x384xf32> to vector<1000x128xf32>
    %swap3A_17 = arith.constant 0 : index
    %swap3A_18 = arith.constant 0 : index
    %swap3A_19 = vector.load %arg6[%swap3A_17, %swap3A_18] : memref<1000x128xf32, #tpu.memory_space<vmem>>, vector<1000x128xf32>
    tpu.vector_store %arg6[%swap3A_17, %swap3A_18], %slice3A_16 {strides = array<i32>} : memref<1000x128xf32, #tpu.memory_space<vmem>>, vector<1000x128xf32>,
    %slice3A_20 = vector.extract_strided_slice %add3A {offsets = [0, 256], sizes = [1000, 128], strides = [1, 1]} : vector<1000x384xf32> to vector<1000x128xf32>
    %swap3A_21 = arith.constant 0 : index
    %swap3A_22 = arith.constant 0 : index
    %swap3A_23 = vector.load %arg7[%swap3A_21, %swap3A_22] : memref<1000x128xf32, #tpu.memory_space<vmem>>, vector<1000x128xf32>
    tpu.vector_store %arg7[%swap3A_21, %swap3A_22], %slice3A_20 {strides = array<i32>} : memref<1000x128xf32, #tpu.memory_space<vmem>>, vector<1000x128xf32>,
    return
  }
  func.func @transform_0(%arg0: i32) -> (i32, i32) {
    %c0_i32 = arith.constant 0 : i32
    %c0_i32_0 = arith.constant 0 : i32
    return %arg0, %c0_i32 : i32, i32
  }
  func.func @transform_1(%arg0: i32) -> (i32, i32) {
    %c0_i32 = arith.constant 0 : i32
    %c0_i32_0 = arith.constant 0 : i32
    return %arg0, %c0_i32 : i32, i32
  }
  func.func @transform_2(%arg0: i32) -> (i32, i32) {
    %c0_i32 = arith.constant 0 : i32
    %c0_i32_0 = arith.constant 0 : i32
    %c0_i32_1 = arith.constant 0 : i32
    return %c0_i32, %c0_i32_0 : i32, i32
  }
  func.func @transform_3(%arg0: i32) -> (i32, i32) {
    %c0_i32 = arith.constant 0 : i32
    %c0_i32_0 = arith.constant 0 : i32
    %c0_i32_1 = arith.constant 0 : i32
    return %c0_i32, %c0_i32_0 : i32, i32
  }
  func.func @transform_4(%arg0: i32) -> (i32, i32) {
    %c0_i32 = arith.constant 0 : i32
    %c0_i32_0 = arith.constant 0 : i32
    return %arg0, %c0_i32 : i32, i32
  }
  func.func @transform_5(%arg0: i32) -> (i32, i32) {
    %c0_i32 = arith.constant 0 : i32
    %c0_i32_0 = arith.constant 0 : i32
    return %arg0, %c0_i32 : i32, i32
  }
  func.func @transform_6(%arg0: i32) -> (i32, i32) {
    %c0_i32 = arith.constant 0 : i32
    %c0_i32_0 = arith.constant 0 : i32
    return %arg0, %c0_i32 : i32, i32
  }
}

module attributes {stable_mosaic.version = 14 : i64} {
  func.func @_final_body(%arg0: i32, %arg1: memref<1000x128xf32, #tpu.memory_space<vmem>>, %arg2: memref<2x1000x128xf32, #tpu.memory_space<vmem>>, %arg3: memref<128x128xf32, #tpu.memory_space<vmem>>, %arg4: memref<1000x128xf32, #tpu.memory_space<vmem>>) attributes {dimension_semantics = [#tpu.dimension_semantics<arbitrary>], iteration_bounds = array<i64: 10>, scalar_prefetch = 0 : i64, scratch_operands = 0 : i64, tpu.core_type = #tpu.core_type<tc>, window_params = [{transform_indices = @transform_0, window_bounds = array<i64: 1000, 128>}, {transform_indices = @transform_1, window_bounds = array<i64: 2, 1000, 128>}, {pipeline_mode = #tpu.pipeline_mode<synchronous>, transform_indices = @transform_2, window_bounds = array<i64: 128, 128>}, {transform_indices = @transform_3, window_bounds = array<i64: 1000, 128>}]} {
    %get3A = arith.constant 0 : index
    %get3A_0 = arith.constant 0 : index
    %get3A_1 = arith.constant 0 : index
    %get3A_2 = vector.load %arg2[%get3A, %get3A_0, %get3A_1] : memref<2x1000x128xf32, #tpu.memory_space<vmem>>, vector<1x1000x128xf32>
    %get3A_3 = vector.shape_cast %get3A_2 : vector<1x1000x128xf32> to vector<1000x128xf32>
    %get3A_4 = arith.constant 1 : index
    %get3A_5 = arith.constant 0 : index
    %get3A_6 = arith.constant 0 : index
    %get3A_7 = vector.load %arg2[%get3A_4, %get3A_5, %get3A_6] : memref<2x1000x128xf32, #tpu.memory_space<vmem>>, vector<1x1000x128xf32>
    %get3A_8 = vector.shape_cast %get3A_7 : vector<1x1000x128xf32> to vector<1000x128xf32>
    %add3A = arith.addf %get3A_3, %get3A_8 : vector<1000x128xf32>
    %get3A_9 = arith.constant 0 : index
    %get3A_10 = arith.constant 0 : index
    %get3A_11 = vector.load %arg1[%get3A_9, %get3A_10] : memref<1000x128xf32, #tpu.memory_space<vmem>>, vector<1000x128xf32>
    %get3A_12 = arith.constant 0 : index
    %get3A_13 = arith.constant 0 : index
    %get3A_14 = vector.load %arg3[%get3A_12, %get3A_13] : memref<128x128xf32, #tpu.memory_space<vmem>>, vector<128x128xf32>
    %dot_general3A = arith.constant dense<0.000000e+00> : vector<1000x128xf32>
    %dot_general3A_15 = tpu.matmul %add3A, %get3A_14, %dot_general3A {dimension_numbers = #tpu.dot_dimension_numbers<[1], [0], [0], [1], [0, 0, 1, 1], [], []>, transpose_lhs_hint = false} : vector<1000x128xf32>, vector<128x128xf32>, vector<1000x128xf32> -> vector<1000x128xf32>
    %add3A_16 = arith.addf %get3A_11, %dot_general3A_15 : vector<1000x128xf32>
    %max3A = arith.constant 0.000000e+00 : f32
    %max3A_17 = vector.broadcast %max3A : f32 to vector<1000x128xf32>
    %max3A_18 = arith.maximumf %add3A_16, %max3A_17 : vector<1000x128xf32>
    %swap3A = arith.constant 0 : index
    %swap3A_19 = arith.constant 0 : index
    %swap3A_20 = vector.load %arg4[%swap3A, %swap3A_19] : memref<1000x128xf32, #tpu.memory_space<vmem>>, vector<1000x128xf32>
    tpu.vector_store %arg4[%swap3A, %swap3A_19], %max3A_18 {strides = array<i32>} : memref<1000x128xf32, #tpu.memory_space<vmem>>, vector<1000x128xf32>,
    return
  }
  func.func @transform_0(%arg0: i32) -> (i32, i32) {
    %c0_i32 = arith.constant 0 : i32
    %c0_i32_0 = arith.constant 0 : i32
    return %arg0, %c0_i32 : i32, i32
  }
  func.func @transform_1(%arg0: i32) -> (i32, i32, i32) {
    %c0_i32 = arith.constant 0 : i32
    %c0_i32_0 = arith.constant 0 : i32
    %c0_i32_1 = arith.constant 0 : i32
    return %c0_i32, %arg0, %c0_i32_0 : i32, i32, i32
  }
  func.func @transform_2(%arg0: i32) -> (i32, i32) {
    %c0_i32 = arith.constant 0 : i32
    %c0_i32_0 = arith.constant 0 : i32
    %c0_i32_1 = arith.constant 0 : i32
    return %c0_i32, %c0_i32_0 : i32, i32
  }
  func.func @transform_3(%arg0: i32) -> (i32, i32) {
    %c0_i32 = arith.constant 0 : i32
    %c0_i32_0 = arith.constant 0 : i32
    return %arg0, %c0_i32 : i32, i32
  }
}

</mosaic_0001>

<sc_bundles>
// kernel: kernel.5.cloned.1.call-start
scs
__scs_entry_jumppad:
0x0: {  	(pc) =	sbr.rel $0x88, $3  }
0x1: {  	(tag) =	ssettag $0x0;
	lr =	simm.s32 $0x1  }
0x2: {  	[smem:$0x3F9A] =	sst lr;
	_ =	strace $0xD0000000  }
0x3: {  	_ = 	snop  }
0x4: {  	_ = 	snop  }
0x5: {  	_ = 	snop  }
0x6: {  	_ = 	snop  }
0x7: {  	_ = 	snop  }
__scs_overlays_trampoline_lowered:
0x8: {  	[smem:$0x3FA9] =	sst s0  }
0x9: {  	[smem:$0x3FAA] =	sst s1  }
0xa: {  	[smem:$0x3FAB] =	sst s2  }
0xb: {  	[smem:$0x3FAC] =	sst s3  }
0xc: {  	[smem:$0x3FAD] =	sst s4  }
0xd: {  	[smem:$0x3FAE] =	sst s5  }
0xe: {  	[smem:$0x3FAF] =	sst s6  }
0xf: {  	[smem:$0x3FB0] =	sst s7  }
0x10: {  	[smem:$0x3FB1] =	sst s8  }
0x11: {  	[smem:$0x3FB2] =	sst s9;
	s0 =	simm.s32 @!p0 $0x0  }
0x12: {  	s1 =	sld [smem:$0x3F98];
	s0 =	simm.s32 @p0 $0x1  }
0x13: {  	[smem:$0x3FB3] =	sst s0;
	s0 =	simm.s32 @!p1 $0x0  }
0x14: {  	s2 =	sld [smem:$0x3F97];
	s0 =	simm.s32 @p1 $0x1  }
0x15: {  	[smem:$0x3FB4] =	sst s0;
	s0 =	simm.s32 @!p2 $0x0  }
0x16: {  	s3 =	sld [smem:$0x3FDB];
	s0 =	simm.s32 @p2 $0x1  }
0x17: {  	s4 =	simm.s32 $0x1BF5;
	[smem:$0x3FB6] =	sst s0  }
0x18: {  	s0 =	sld [smem:$0x3F99];
	_ =	swait.ge [sflag:s4], $0x0  }
0x19: {  	s7 =	sld [smem:$0x3F9A]  }
0x1a: {  	s8 =	sadd.s32 $0xFFFFE003, lr  }
0x1b: {  	s9 =	sadd.s32 $0xFFFFFEF7, lr;
	s5 =	simm.s32 $0xFFFFFFFF;
	p2 =	slt.u32 s8, $0xFFFFF086  }
0x1c: {  	p1 =	slt.u32 s9, $0xF7A;
	s5 =	simm.s32 @!p2 $0x0  }
0x1d: {  	s5 =	simm.s32 @p1 $0x1;
	p0 =	seq.s32 s7, s2  }
0x1e: {  	s7 =	smul.u32 @!p0 $0xF7A, s2;
	p2 =	seq.s32 @!p0 s5, $0x0  }
0x1f: {  	s9 =	smul.u32 $0xF7A, s1;
	s8 =	simm.s32 @!p0 $0x1BF5;
	p2 =	por !p2, p0  }
0x20: {  	[sflag:s8] =	ssyncset.s32 @!p0 $0xFFFFF086;
	s6 =	sadd.s32 @!p0 s3, s7;
	s7 =	simm.s32 @!p0 $0x108  }
0x21: {  	s3 =	sadd.s32 s3, s9;
	s6 =	sadd.s32 @!p0 $0x88, s6;
	s7 =	simm.s32 @p2 $0x1082  }
0x22: {  	[simem:s7], [sflag:s8] =	dma.local @!p0 [hbm:s6], $0xF7A  }
0x23: {  	s9 =	sor.u32 $0xD0000000, s2;
	s6 =	simm.s32 $0x108;
	_ =	swait.ge @!p0 [sflag:s8], $0x0  }
0x24: {  	s3 =	sadd.s32 $0x88, s3;
	s6 =	simm.s32 @!p1 $0x1082;
	[sflag:s4] =	ssyncset.s32 $0xFFFFF086  }
0x25: {  	[simem:s6], [sflag:s4] =	dma.local [hbm:s3], $0xF7A  }
0x26: {  	[smem:$0x3F9A] =	sst s1;
	(tag) =	ssettag s2;
	_ =	strace s9  }
0x27: {  	s1 =	sld [smem:$0x3FAA]  }
0x28: {  	s2 =	sld [smem:$0x3FAB]  }
0x29: {  	s4 =	sld [smem:$0x3FAD]  }
0x2a: {  	p0 =	seq.s32 s5, $0x0;
	s5 =	sld [smem:$0x3FAE]  }
0x2b: {  	s6 =	sld [smem:$0x3FAF]  }
0x2c: {  	s7 =	sld [smem:$0x3FB0]  }
0x2d: {  	s3 =	simm.s32 $0x108;
	s8 =	sld [smem:$0x3FB1]  }
0x2e: {  	s3 =	simm.s32 @!p0 $0x1082;
	s9 =	sld [smem:$0x3FB2]  }
0x2f: {  	lr =	sadd.s32 s0, s3;
	s0 =	sld [smem:$0x3FA9]  }
0x30: {  	s3 =	sld [smem:$0x3FAC]  }
0x31: {  	[smem:$0x3FB5] =	sst s10  }
0x32: {  	s10 =	sld [smem:$0x3FB3];
	_ =	sdelay $0x3  }
0x33: {  	p0 =	seq.s32 s10, $0x1;
	s10 =	sld [smem:$0x3FB5];
	_ =	sdelay $0x3  }
0x34: {  	[smem:$0x3FB5] =	sst s10  }
0x35: {  	s10 =	sld [smem:$0x3FB4];
	_ =	sdelay $0x3  }
0x36: {  	p1 =	seq.s32 s10, $0x1;
	s10 =	sld [smem:$0x3FB5];
	_ =	sdelay $0x3  }
0x37: {  	[smem:$0x3FB5] =	sst s10  }
0x38: {  	s10 =	sld [smem:$0x3FB6]  }
0x39: {  	_ = 	snop;
	(pc) =	sbr.ind lr, $3  }
0x3a: {  	_ = 	snop  }
0x3b: {  	_ = 	snop  }
0x3c: {  	p2 =	seq.s32 s10, $0x1;
	s10 =	sld [smem:$0x3FB5]  }
0x3d: {  	_ =	shalt  }
0x3e: {  	_ =	shalt  }
0x3f: {  	_ =	shalt  }
0x40: {  	_ =	shalt  }
0x41: {  	_ =	shalt  }
0x42: {  	_ =	shalt  }
0x43: {  	_ =	shalt  }
0x44: {  	_ =	shalt  }
0x45: {  	_ =	shalt  }
0x46: {  	_ =	shalt  }
0x47: {  	_ =	shalt  }
0x48: {  	_ =	shalt  }
0x49: {  	_ =	shalt  }
0x4a: {  	_ =	shalt  }
0x4b: {  	_ =	shalt  }
0x4c: {  	_ =	shalt  }
0x4d: {  	_ =	shalt  }
0x4e: {  	_ =	shalt  }
0x4f: {  	_ =	shalt  }
0x50: {  	_ =	shalt  }
0x51: {  	_ =	shalt  }
0x52: {  	_ =	shalt  }
0x53: {  	_ =	shalt  }
0x54: {  	_ =	shalt  }
0x55: {  	_ =	shalt  }
0x56: {  	_ =	shalt  }
0x57: {  	_ =	shalt  }
0x58: {  	_ =	shalt  }
0x59: {  	_ =	shalt  }
0x5a: {  	_ =	shalt  }
0x5b: {  	_ =	shalt  }
0x5c: {  	_ =	shalt  }
0x5d: {  	_ =	shalt  }
0x5e: {  	_ =	shalt  }
0x5f: {  	_ =	shalt  }
0x60: {  	_ =	shalt  }
0x61: {  	_ =	shalt  }
0x62: {  	_ =	shalt  }
0x63: {  	_ =	shalt  }
0x64: {  	_ =	shalt  }
0x65: {  	_ =	shalt  }
0x66: {  	_ =	shalt  }
0x67: {  	_ =	shalt  }
0x68: {  	_ =	shalt  }
0x69: {  	_ =	shalt  }
0x6a: {  	_ =	shalt  }
0x6b: {  	_ =	shalt  }
0x6c: {  	_ =	shalt  }
0x6d: {  	_ =	shalt  }
0x6e: {  	_ =	shalt  }
0x6f: {  	_ =	shalt  }
0x70: {  	_ =	shalt  }
0x71: {  	_ =	shalt  }
0x72: {  	_ =	shalt  }
0x73: {  	_ =	shalt  }
0x74: {  	_ =	shalt  }
0x75: {  	_ =	shalt  }
0x76: {  	_ =	shalt  }
0x77: {  	_ =	shalt  }
0x78: {  	_ =	shalt  }
0x79: {  	_ =	shalt  }
0x7a: {  	_ =	shalt  }
0x7b: {  	_ =	shalt  }
0x7c: {  	_ =	shalt  }
0x7d: {  	_ =	shalt  }
0x7e: {  	_ =	shalt  }
0x7f: {  	_ =	shalt  }
0x80: {  	_ =	shalt  }
0x81: {  	_ =	shalt  }
0x82: {  	_ =	shalt  }
0x83: {  	_ =	shalt  }
0x84: {  	_ =	shalt  }
0x85: {  	_ =	shalt  }
0x86: {  	_ =	shalt  }
0x87: {  	_ =	shalt  }
.Lfunc_end0:
.L_simem_size_0:
called_computation_lowered:
.L_overlay_start_0:
0x88: {  	s2 =	sld [smem:$0x3FD9]  }
0x89: {  	s3 =	sld [smem:$0x3FFE];
	_ =	sdelay $0x1  }
0x8a: {  	s1 =	srdreg.scid  }
0x8b: {  	s0 =	sand.u32 $0x1, s1  }
0x8c: {  	s17 =	sshll.u32 s0, $0xA;
	s2 =	sadd.s32 s3, s2  }
0x8d: {  	s2 =	sadd.s32 s2, s17  }
0x8e: {  	[smem:$0x3FC1] =	sst s2  }
0x8f: {  	_ = 	snop  }
0x90: {  	s2 =	sld [smem:$0x3FD0];
	(tm) =	ssettm $0x1  }
0x91: {  	s18 =	sld [smem:$0x3FFB];
	_ =	sdelay $0x3  }
0x92: {  	_ =	strace s18  }
0x93: {  	s3 =	sld [smem:$0x3FFC];
	_ =	sdelay $0x3  }
0x94: {  	_ =	strace s3  }
0x95: {  	s3 =	sld [smem:$0x3FFD];
	_ =	sdelay $0x3  }
0x96: {  	_ =	strace s3  }
0x97: {  	_ =	strace $0x8FFFFFFF  }
0x98: {  	s19 =	sld [smem:$0x3FDB];
	_ =	sdelay $0x1  }
0x99: {  	s4 =	simm.s32 $_scs_section_size  }
0x9a: {  	s5 =	simm.s32 $_size__tile_overlayer_lowered;
	s6 =	simm.s32 $_tile_overlayer_lowered  }
0x9b: {  	s22 =	simm.s32 $0x1BFF;
	s21 =	sshll.u32 s6, $0x1;
	s3 =	sadd.s32 s4, s19  }
0x9c: {  	s7 =	simm.s32 $0x0;
	s20 =	sshll.u32 s5, $0x1;
	s5 =	sadd.s32 s21, s3  }
0x9d: {  	[timem:s7], [sflag:s22] =	dma.local [hbm:s5], s20  }
0x9e: {  	_ =	swait.ge [sflag:s22], s20  }
0x9f: {  	s4 =	ssub.s32 $0x0, s20;
	[sflag:s22] =	ssyncset.done $0x0  }
0xa0: {  	[sflag:s22] =	ssyncadd.s32 s4;
	_ =	sdelay $0x1  }
0xa1: {  	s23 =	simm.s32 $0x1B8B  }
0xa2: {  	_ =	swait.ge [sflag:s23], $0x1  }
0xa3: {  	[sflag:s23] =	ssyncset.done $0x0  }
0xa4: {  	s25 =	simm.s32 $0x1B8E;
	s24 =	sld [smem:$0x3FFE];
	[sflag:s23] =	ssyncadd.s32 $0xFFFFFFFF  }
0xa5: {  	s26 =	simm.s32 $execute0_lowered;
	[smem:$0x3FD2] =	sst s25  }
0xa6: {  	s5 =	sshll.u32 s26, $0x1;
	_ =	strace $0x80000046;
	[dreg:$0x1] =	wrdreg $0xFFFFFFFF  }
0xa7: {  	s28 =	simm.s32 $_size_execute0_lowered;
	s3 =	sadd.s32 s3, s5;
	[dreg:$0x0] =	wrdreg $0x0  }
0xa8: {  	s5 =	sshll.u32 s28, $0x1;
	[dreg:$0x2] =	wrdreg s3  }
0xa9: {  	[dreg:$0x3] =	wrdreg s5  }
0xaa: {  	[dreg:$0x4] =	wrdreg $0xC0  }
0xab: {  	_ =	task [dreg:s7], $0x5FFFF  }
0xac: {  	[dreg:$0x1] =	wrdreg $0xFFFFFFFF  }
0xad: {  	[dreg:$0x0] =	wrdreg $0x60  }
0xae: {  	[dreg:$0x2] =	wrdreg s2  }
0xaf: {  	[dreg:$0x3] =	wrdreg s24  }
0xb0: {  	[dreg:$0x4] =	wrdreg $0xC4000  }
0xb1: {  	[dreg:$0x5] =	wrdreg $0x9  }
0xb2: {  	_ =	task.clear_ibuf [dreg:s7], $0x6FFFF;
	_ =	strace $0x90000046  }
0xb3: {  	s29 =	simm.s32 $0x9;
	_ =	strace $0x80000048  }
0xb4: {  	_ =	swait.ge [sflag:s29], $0x1  }
0xb5: {  	[sflag:s29] =	ssyncadd.s32 $0xFFFFFFFF  }
0xb6: {  	_ =	strace $0x90000048  }
0xb7: {  	_ =	sfence  }
0xb8: {  	s30 =	sld [smem:$0x0];
	_ =	sdelay $0x2  }
0xb9: {  	s31 =	sshll.u32 s1, $0xD;
	s1 =	sshrl.u32 s1, $0x2  }
0xba: {  	s3 =	sand.u32 $0x4000, s31;
	s1 =	sadd.s32 s1, s30  }
0xbb: {  	s0 =	sor.u32 s3, s0;
	s1 =	sshll.u32 s1, $0x11  }
0xbc: {  	s0 =	sor.u32 s1, s0  }
0xbd: {  	s0 =	sadd.s32 $0x8F2B, s0  }
0xbe: {  	[sflag:s0] =	ssyncadd.remote.s32 $0x1  }
0xbf: {  	_ =	sfence.sel $0xFFFF  }
0xc0: {  	[dreg:$0x0] =	wrdreg $0xFFFFFFFF;
	(pc) =	sbr.abs _section_cstart, $3  }
0xc1: {  	[dreg:$0x1] =	wrdreg $0xFFFFFFFF  }
0xc2: {  	_ =	task.clear_ibuf [dreg:s7], $0x2FFFF;
	_ =	strace $0x9FFFFFFF  }
0xc3: {  	(tm) =	ssettm $0x7FFFFFFF  }
tec
execute0_lowered:
.L_overlay_start_1:
0x0: {  	(tag) =	ssettag $0x1  }
0x1: {  	s1 =	rddreg [dreg:$0x0]  }
0x2: {  	s0 =	rddreg [dreg:$0x1]  }
0x3: {  	s2 =	rddreg [dreg:$0x2];
	s3 =	simm.s32 $0x0  }
0x4: {  	s4 =	srdreg.scid;
	s12 =	stileid.u32;
	s28 =	simm.s32 $0xC000  }
0x5: {  	s29 =	simm.s32 $0xC100;
	s30 =	simm.s32 $0xC080;
	s31 =	simm.s32 $0xC180  }
0x6: {  	s13 =	simm.s32 $0x2;
	s14 =	simm.s32 $0xC280;
	s15 =	simm.s32 $0xA000  }
0x7: {  	[smem:$0x7FF] =	sst s3;
	s4 =	sand.u32 $0x1, s4;
	s5 =	sadd.s32 $0x14C00, s0  }
0x8: {  	s8 =	sshll.u32 s12, $0xD;
	s17 =	ssub.s32 $0xAC, s12;
	_ =	strace $0x80000047  }
0x9: {  	s7 =	smul.u32 $0x13A000, s4;
	s6 =	sshll.u32 s4, $0x4;
	s4 =	ssub.s32 $0x2, s4  }
0xa: {  	s19 =	sshrl.u32 s17, $0x4;
	s23 =	sadd.s32 s8, s2;
	s9 =	sor.u32 s12, s6  }
0xb: {  	s6 =	sadd.s32 $0xAE00, s0;
	s16 =	sshrl.u32 s4, $0x1;
	[dreg:$0x4] =	wrdreg s19  }
0xc: {  	s12 =	simm.s32 $0xC200;
	[dreg:$0x5] =	wrdreg s23;
	s10 =	sadd.s32 s8, s7  }
0xd: {  	s9 =	smul.u32 $0x2710, s9;
	s4 =	ssub.s32 s4, s16;
	s10 =	sshrl.u32 s10, $0x3  }
0xe: {  	s7 =	sadd.s32 $0x1000, s0;
	s4 =	smax.u32 s4, $0x1;
	s0 =	sadd.s32 s10, s0  }
0xf: {  	s11 =	sshrl.u32 s9, $0x3;
	s16 =	sadd.s32 $0x80, s9;
	s17 =	sadd.s32 $0xC0, s9  }
0x10: {  	[dreg:$0xc] =	wrdreg s4;
	s4 =	simm.s32 $0x40;
	s22 =	sadd.s32 s6, s11  }
0x11: {  	s10 =	simm.s32 $0x4;
	s25 =	sadd.s32 s7, s11;
	[dreg:$0x8] =	wrdreg s22  }
0x12: {  	s18 =	sadd.s32 $0x4E0, s11;
	s0 =	sadd.s32 $0x3BE00, s0;
	[dreg:$0x9] =	wrdreg s25  }
0x13: {  	s9 =	simm.s32 $0x0;
	s20 =	sadd.s32 s6, s18;
	[dreg:$0xd] =	wrdreg s0  }
0x14: {  	s24 =	sadd.s32 $0x8, s11;
	s21 =	sadd.s32 s7, s18;
	[dreg:$0x6] =	wrdreg s20  }
0x15: {  	s11 =	simm.s32 $0x2000;
	s26 =	sadd.s32 s6, s24;
	[dreg:$0x7] =	wrdreg s21  }
0x16: {  	s8 =	sadd.s32 s7, s24;
	s25 =	simm.s32 $0x1;
	[dreg:$0xa] =	wrdreg s26  }
0x17: {  	s0 =	simm.s32 $0x3;
	s22 =	simm.s32 $0x6000;
	[dreg:$0xb] =	wrdreg s8  }
0x18: {  	v0 =	vimm.f32 $0.0e+00;
	s20 =	simm.s32 $0x8000;
	s21 =	simm.s32 $0x7;
	s26 =	simm.s32 $0x4000  }
.LBB2_1:
0x19: {  	[dreg:$0xe] =	wrdreg s9;
	s8 =	simm.s32 $0x0;
	s9 =	simm.s32 $0x200  }
.LBB2_2:
0x1a: {  	p0 =	sne.s32 s9, $0x7E00;
	[tilespmem:s8+$0x8070] =	vst v0  }
0x1b: {  	[tilespmem:s8+$0x8000] =	vst v0  }
0x1c: {  	[tilespmem:s8+$0x8010] =	vst v0  }
.Ltmp0:
0x1d: {  	[tilespmem:s8+$0x8020] =	vst v0;
	(pc) =	sbr.rel @p0 .LBB2_2-.Ltmp0, $4  }
0x1e: {  	[tilespmem:s8+$0x8030] =	vst v0  }
0x1f: {  	[tilespmem:s8+$0x8040] =	vst v0  }
0x20: {  	[tilespmem:s8+$0x8050] =	vst v0  }
0x21: {  	[tilespmem:s8+$0x8060] =	vst v0;
	s8 =	sshra.s32 s9, $0x2;
	s9 =	sadd.s32 $0x200, s9  }
0x22: {  	[tilespmem:s8+$0x8070] =	vst v0  }
0x23: {  	[tilespmem:s8+$0x8000] =	vst v0  }
0x24: {  	[tilespmem:s8+$0x8010] =	vst v0  }
0x25: {  	[tilespmem:s8+$0x8020] =	vst v0  }
0x26: {  	[tilespmem:s8+$0x8030] =	vst v0  }
0x27: {  	[tilespmem:s8+$0x8040] =	vst v0;
	p0 =	sne.s32 s19, $0x1  }
.Ltmp1:
0x28: {  	[tilespmem:s8+$0x8050] =	vst v0;
	(pc) =	sbr.rel @!p0 .LBB2_5-.Ltmp1, $4  }
0x29: {  	[tilespmem:s8+$0x8060] =	vst v0  }
0x2a: {  	[spmem:s23] =	stream.linear.scatter [tilespmem:s20], [sflag:$0x7], $0x2000, $0x38;
	[tilespmem:$0x1FE00] =	vst v63  }
0x2b: {  	_ =	swait.ge [sflag:s21], $0x2000  }
0x2c: {  	s8 =	sadd.s32 $0xFFFFFFFF, s19;
	s9 =	smov.u32 s23;
	[sflag:s21] =	ssyncset.done $0x0  }
.LBB2_4:
0x2d: {  	p1 =	sne.s32 s8, $0x1;
	[sflag:s21] =	ssyncadd.s32 $0xFFFFE000;
	s9 =	sadd.s32 $0x20000, s9  }
.Ltmp2:
0x2e: {  	s8 =	sadd.s32 $0xFFFFFFFF, s8;
	(pc) =	sbr.rel @p1 .LBB2_4-.Ltmp2, $4  }
0x2f: {  	_ = 	snop  }
0x30: {  	[spmem:s9] =	stream.linear.scatter [tilespmem:s20], [sflag:$0x7], $0x2000, $0x38;
	[tilespmem:$0x1FE00] =	vst v63  }
0x31: {  	_ =	swait.ge [sflag:s21], $0x2000  }
0x32: {  	[sflag:s21] =	ssyncset.done $0x0  }
.LBB2_5:
0x33: {  	[sflag:s21] =	ssyncadd.s32 $0xFFFFE000  }
0x34: {  	[bflag:$0x0] =	sbarrier.arrive $0xFFFF  }
0x35: {  	s8 =	simm.s32 $0x0;
	s18 =	simm.s32 $0xC300;
	s9 =	rddreg [dreg:$0x6]  }
0x36: {  	[tilespmem:s18], [sflag:$0x7] =	stream.linear.gather [hbm4b:s9+s8], $0x10, $0x38;
	[tilespmem:$0x1FE00] =	vst v63  }
0x37: {  	_ =	swait.ge [sflag:s21], $0x10  }
0x38: {  	[sflag:s21] =	ssyncset.done $0x0  }
0x39: {  	s19 =	simm.s32 $0xC380;
	s24 =	rddreg [dreg:$0x7];
	[sflag:s21] =	ssyncadd.s32 $0xFFFFFFF0  }
0x3a: {  	[tilespmem:s19], [sflag:$0x7] =	stream.linear.gather [hbm4b:s24+s8], $0x10, $0x38;
	[tilespmem:$0x1FE00] =	vst v63  }
0x3b: {  	_ =	swait.ge [sflag:s21], $0x10  }
0x3c: {  	[sflag:s21] =	ssyncset.done $0x0  }
0x3d: {  	s24 =	simm.s32 $0x10;
	[sflag:s21] =	ssyncadd.s32 $0xFFFFFFF0  }
0x3e: {  	[tilespmem:s8], [sflag:$0x1] =	stream.indirect.gather [hbm4b:s1+s24], $0x80, s18, s24, $0xb8;
	[tilespmem:$0x1FE00] =	vst v63  }
0x3f: {  	_ =	swait.ge [sflag:s25], $0x800  }
0x40: {  	[sflag:s25] =	ssyncset.done $0x0  }
0x41: {  	[sflag:s25] =	ssyncadd.s32 $0xFFFFF800  }
0x42: {  	[tilespmem:s26], [sflag:$0x1] =	stream.indirect.gather [hbm4b:s5+s24], $0x80, s19, s24, $0xb8;
	[tilespmem:$0x1FE00] =	vst v63  }
0x43: {  	_ =	swait.ge [sflag:s25], $0x800  }
0x44: {  	[sflag:s25] =	ssyncset.done $0x0  }
0x45: {  	s18 =	simm.s32 $0x0;
	[sflag:s25] =	ssyncadd.s32 $0xFFFFF800  }
0x46: {  	v1 =	vld [tilespmem:s18+$0x70]  }
0x47: {  	v2 =	vld [tilespmem:s18+$0x4070]  }
0x48: {  	v3 =	vld [tilespmem:s18+$0x0]  }
0x49: {  	v4 =	vld [tilespmem:s18+$0x4000]  }
0x4a: {  	v5 =	vld [tilespmem:s18+$0x10]  }
0x4b: {  	v6 =	vld [tilespmem:s18+$0x4010]  }
0x4c: {  	v7 =	vld [tilespmem:s18+$0x20]  }
0x4d: {  	v1 =	vadd.f32 v2, v1;
	v2 =	vld [tilespmem:s18+$0x4020]  }
0x4e: {  	v8 =	vld [tilespmem:s18+$0x30]  }
0x4f: {  	v9 =	vld [tilespmem:s18+$0x4030];
	v3 =	vadd.f32 v4, v3  }
0x50: {  	v10 =	vld [tilespmem:s18+$0x40];
	v1 =	vmax.f32 v1, $0.0e+00  }
0x51: {  	[tilespmem:s18+$0x8070] =	vst v1;
	v1 =	vmax.f32 v3, $0.0e+00;
	v3 =	vadd.f32 v6, v5;
	v6 =	vld [tilespmem:s18+$0x4040]  }
0x52: {  	v4 =	vld [tilespmem:s18+$0x4050];
	v2 =	vadd.f32 v2, v7  }
0x53: {  	[tilespmem:s18+$0x8000] =	vst v1;
	v1 =	vld [tilespmem:s18+$0x50];
	v3 =	vmax.f32 v3, $0.0e+00  }
0x54: {  	v5 =	vld [tilespmem:s18+$0x4060];
	v7 =	vadd.f32 v9, v8;
	[tilespmem:s18+$0x8010] =	vst v3;
	v3 =	vmax.f32 v2, $0.0e+00  }
0x55: {  	s19 =	simm.s32 $0x80;
	v2 =	vld [tilespmem:s18+$0x60];
	[tilespmem:s18+$0x8020] =	vst v3  }
0x56: {  	s23 =	simm.s32 $0x10;
	s9 =	simm.s32 $0xC380;
	s8 =	simm.s32 $0x400;
	v7 =	vmax.f32 v7, $0.0e+00;
	v6 =	vadd.f32 v6, v10;
	v3 =	vld [tilespmem:s19+$0x70]  }
.LBB2_6:
0x57: {  	p1 =	sne.s32 s8, $0x1E00;
	v8 =	vld [tilespmem:s19+$0x4070];
	[tilespmem:s18+$0x8030] =	vst v7  }
0x58: {  	v7 =	vld [tilespmem:s19+$0x0];
	v6 =	vmax.f32 v6, $0.0e+00;
	v1 =	vadd.f32 v4, v1  }
0x59: {  	v4 =	vld [tilespmem:s19+$0x4000];
	[tilespmem:s18+$0x8040] =	vst v6  }
0x5a: {  	v6 =	vld [tilespmem:s19+$0x10];
	v1 =	vmax.f32 v1, $0.0e+00;
	v2 =	vadd.f32 v5, v2  }
0x5b: {  	v5 =	vld [tilespmem:s19+$0x4010];
	[tilespmem:s18+$0x8050] =	vst v1  }
0x5c: {  	v1 =	vld [tilespmem:s19+$0x20];
	v3 =	vadd.f32 v8, v3;
	v2 =	vmax.f32 v2, $0.0e+00  }
0x5d: {  	v8 =	vld [tilespmem:s19+$0x4020];
	[tilespmem:s18+$0x8060] =	vst v2;
	s18 =	smov.u32 s19  }
0x5e: {  	v2 =	vadd.f32 v4, v7;
	v7 =	vld [tilespmem:s18+$0x30];
	v3 =	vmax.f32 v3, $0.0e+00  }
0x5f: {  	v9 =	vld [tilespmem:s18+$0x4030];
	[tilespmem:s18+$0x8070] =	vst v3  }
0x60: {  	v2 =	vmax.f32 v2, $0.0e+00;
	v3 =	vadd.f32 v5, v6;
	v6 =	vld [tilespmem:s18+$0x40]  }
0x61: {  	[tilespmem:s18+$0x8000] =	vst v2;
	v10 =	vld [tilespmem:s18+$0x4040]  }
.Ltmp3:
0x62: {  	v2 =	vmax.f32 v3, $0.0e+00;
	v3 =	vadd.f32 v8, v1;
	v1 =	vld [tilespmem:s18+$0x50];
	(pc) =	sbr.rel @p1 .LBB2_6-.Ltmp3, $4  }
0x63: {  	[tilespmem:s18+$0x8010] =	vst v2;
	v4 =	vld [tilespmem:s18+$0x4050]  }
0x64: {  	v3 =	vmax.f32 v3, $0.0e+00;
	v7 =	vadd.f32 v9, v7;
	v2 =	vld [tilespmem:s18+$0x60]  }
0x65: {  	s19 =	sshra.s32 s8, $0x2;
	[tilespmem:s18+$0x8020] =	vst v3;
	v5 =	vld [tilespmem:s18+$0x4060]  }
0x66: {  	s8 =	sadd.s32 $0x200, s8;
	v3 =	vld [tilespmem:s19+$0x70];
	v7 =	vmax.f32 v7, $0.0e+00;
	v6 =	vadd.f32 v10, v6  }
0x67: {  	v8 =	vld [tilespmem:s19+$0x4070];
	[tilespmem:s18+$0x8030] =	vst v7  }
0x68: {  	v7 =	vld [tilespmem:s19+$0x0];
	v6 =	vmax.f32 v6, $0.0e+00;
	v1 =	vadd.f32 v4, v1  }
0x69: {  	v9 =	vld [tilespmem:s19+$0x4000];
	[tilespmem:s18+$0x8040] =	vst v6  }
0x6a: {  	v57 =	vld [tilespmem:s19+$0x10];
	v1 =	vmax.f32 v1, $0.0e+00;
	v2 =	vadd.f32 v5, v2  }
0x6b: {  	v6 =	vld [tilespmem:s19+$0x4010];
	[tilespmem:s18+$0x8050] =	vst v1  }
0x6c: {  	v1 =	vld [tilespmem:s19+$0x20];
	v2 =	vmax.f32 v2, $0.0e+00  }
0x6d: {  	v58 =	vld [tilespmem:s19+$0x4020];
	[tilespmem:s18+$0x8060] =	vst v2  }
0x6e: {  	v2 =	vld [tilespmem:s19+$0x30]  }
0x6f: {  	v3 =	vadd.f32 v8, v3;
	v59 =	vld [tilespmem:s19+$0x4030]  }
0x70: {  	v7 =	vadd.f32 v9, v7;
	v60 =	vld [tilespmem:s19+$0x40]  }
0x71: {  	v3 =	vmax.f32 v3, $0.0e+00;
	v61 =	vld [tilespmem:s19+$0x50]  }
0x72: {  	v62 =	vld [tilespmem:s19+$0x4050];
	[tilespmem:s19+$0x8070] =	vst v3;
	v3 =	vmax.f32 v7, $0.0e+00;
	v1 =	vadd.f32 v58, v1  }
0x73: {  	[tilespmem:s19+$0x8000] =	vst v3;
	v3 =	vld [tilespmem:s19+$0x4040]  }
0x74: {  	v63 =	vld [tilespmem:s19+$0x60];
	v1 =	vmax.f32 v1, $0.0e+00  }
0x75: {  	[tilespmem:s19+$0x8020] =	vst v1;
	v1 =	vld [tilespmem:s19+$0x4060]  }
0x76: {  	v4 =	vadd.f32 v6, v57  }
0x77: {  	v2 =	vadd.f32 v59, v2  }
0x78: {  	v4 =	vmax.f32 v4, $0.0e+00;
	v3 =	vadd.f32 v3, v60  }
0x79: {  	[tilespmem:s19+$0x8010] =	vst v4;
	v4 =	vadd.f32 v62, v61;
	v2 =	vmax.f32 v2, $0.0e+00  }
0x7a: {  	[tilespmem:s19+$0x8030] =	vst v2;
	v2 =	vmax.f32 v3, $0.0e+00;
	v1 =	vadd.f32 v1, v63  }
0x7b: {  	[tilespmem:s19+$0x8040] =	vst v2;
	v2 =	vmax.f32 v4, $0.0e+00  }
0x7c: {  	[tilespmem:s19+$0x8050] =	vst v2;
	v1 =	vmax.f32 v1, $0.0e+00  }
0x7d: {  	[tilespmem:s19+$0x8060] =	vst v1  }
0x7e: {  	[spmem:s2] =	stream.indirect.scatter.add.f32 [tilespmem:s20], [sflag:$0x7], $0x80, s9, s23, $0xb8;
	[tilespmem:$0x1FE00] =	vst v63  }
0x7f: {  	_ =	swait.ge [sflag:s21], $0x800  }
0x80: {  	[sflag:s21] =	ssyncset.done $0x0  }
0x81: {  	s18 =	simm.s32 $0x0;
	s8 =	rddreg [dreg:$0x8];
	[sflag:s21] =	ssyncadd.s32 $0xFFFFF800  }
0x82: {  	[tilespmem:s28], [sflag:$0x3] =	stream.linear.gather [hbm4b:s8+s18], $0x40, $0x38;
	[tilespmem:$0x1FE00] =	vst v63  }
0x83: {  	s19 =	rddreg [dreg:$0x9]  }
0x84: {  	[tilespmem:s29], [sflag:$0x3] =	stream.linear.gather [hbm4b:s19+s18], $0x40, $0x38;
	[tilespmem:$0x1FE00] =	vst v63  }
0x85: {  	s23 =	rddreg [dreg:$0xa]  }
0x86: {  	[tilespmem:s30], [sflag:$0x4] =	stream.linear.gather [hbm4b:s23+s18], $0x40, $0x38;
	[tilespmem:$0x1FE00] =	vst v63  }
0x87: {  	s24 =	rddreg [dreg:$0xb]  }
0x88: {  	[tilespmem:s31], [sflag:$0x4] =	stream.linear.gather [hbm4b:s24+s18], $0x40, $0x38;
	[tilespmem:$0x1FE00] =	vst v63  }
0x89: {  	_ =	swait.ge [sflag:s0], $0x40  }
0x8a: {  	[sflag:s0] =	ssyncset.done $0x0  }
0x8b: {  	[sflag:s0] =	ssyncadd.s32 $0xFFFFFFC0  }
0x8c: {  	_ =	swait.ge [sflag:s0], $0x40  }
0x8d: {  	[sflag:s0] =	ssyncset.done $0x0  }
0x8e: {  	[sflag:s0] =	ssyncadd.s32 $0xFFFFFFC0  }
0x8f: {  	[tilespmem:s18], [sflag:$0x1] =	stream.indirect.gather [hbm4b:s1+s4], $0x80, s28, s4, $0xb8;
	[tilespmem:$0x1FE00] =	vst v63  }
0x90: {  	_ = 	snop  }
0x91: {  	[tilespmem:s26], [sflag:$0x1] =	stream.indirect.gather [hbm4b:s5+s4], $0x80, s29, s4, $0xb8;
	[tilespmem:$0x1FE00] =	vst v63  }
.LBB2_8:
0x92: {  	p2 =	seq.s32 s18, $0x0  }
0x93: {  	s8 =	simm.s32 @!p2 $0x5  }
0x94: {  	_ =	swait.ge @!p2 [sflag:s8], $0x2000  }
0x95: {  	[sflag:s8] =	ssyncset.done @!p2 $0x0  }
0x96: {  	[sflag:s8] =	ssyncadd.s32 @!p2 $0xFFFFE000  }
0x97: {  	_ =	swait.ge [sflag:s10], $0x40  }
0x98: {  	[sflag:s10] =	ssyncset.done $0x0  }
0x99: {  	[sflag:s10] =	ssyncadd.s32 $0xFFFFFFC0  }
0x9a: {  	_ =	swait.ge [sflag:s10], $0x40  }
0x9b: {  	[sflag:s10] =	ssyncset.done $0x0  }
0x9c: {  	[sflag:s10] =	ssyncadd.s32 $0xFFFFFFC0  }
0x9d: {  	[tilespmem:s11], [sflag:$0x2] =	stream.indirect.gather [hbm4b:s1+s4], $0x80, s30, s4, $0xb8;
	[tilespmem:$0x1FE00] =	vst v63  }
0x9e: {  	_ = 	snop  }
0x9f: {  	[tilespmem:s22], [sflag:$0x2] =	stream.indirect.gather [hbm4b:s5+s4], $0x80, s31, s4, $0xb8;
	[tilespmem:$0x1FE00] =	vst v63  }
0xa0: {  	_ =	swait.ge [sflag:s25], $0x2000  }
0xa1: {  	[sflag:s25] =	ssyncset.done $0x0  }
0xa2: {  	[sflag:s25] =	ssyncadd.s32 $0xFFFFE000  }
0xa3: {  	_ =	swait.ge [sflag:s25], $0x2000  }
0xa4: {  	[sflag:s25] =	ssyncset.done $0x0  }
0xa5: {  	[sflag:s25] =	ssyncadd.s32 $0xFFFFE000  }
0xa6: {  	v1 =	vld [tilespmem:$0xC100]  }
0xa7: {  	v2 =	vld [tilespmem:$0xC110]  }
0xa8: {  	v3 =	vld [tilespmem:$0xC120]  }
0xa9: {  	v4 =	vld [tilespmem:$0xC130]  }
0xaa: {  	p1 =	seq.s32 s18, $0x4D  }
0xab: {  	s23 =	sshll.u32 @!p1 s18, $0x7;
	[tilespmem:$0xC200] =	vst v1  }
0xac: {  	s8 =	sadd.s32 @!p1 s23, s16;
	[tilespmem:$0xC210] =	vst v2  }
0xad: {  	s8 =	sshrl.u32 @!p1 s8, $0x3;
	[tilespmem:$0xC220] =	vst v3  }
0xae: {  	s19 =	simm.s32 @!p1 $0x0;
	s24 =	simm.s32 @!p1 $0xC000;
	s9 =	sadd.s32 @!p1 s6, s8;
	[tilespmem:$0xC230] =	vst v4  }
0xaf: {  	[tilespmem:s24], [sflag:$0x3] =	stream.linear.gather @!p1 [hbm4b:s9+s19], $0x40, $0x38;
	[tilespmem:$0x1FE00] =	vst v63  }
0xb0: {  	s8 =	sadd.s32 @!p1 s7, s8;
	s9 =	simm.s32 @!p1 $0xC100  }
0xb1: {  	[tilespmem:s9], [sflag:$0x3] =	stream.linear.gather @!p1 [hbm4b:s8+s19], $0x40, $0x38;
	[tilespmem:$0x1FE00] =	vst v63  }
0xb2: {  	s19 =	simm.s32 $0x0  }
0xb3: {  	v1 =	vld [tilespmem:s19+$0x70]  }
0xb4: {  	v2 =	vld [tilespmem:s19+$0x4070]  }
0xb5: {  	v3 =	vld [tilespmem:s19+$0x0]  }
0xb6: {  	v4 =	vld [tilespmem:s19+$0x4000]  }
0xb7: {  	v5 =	vld [tilespmem:s19+$0x10]  }
0xb8: {  	v6 =	vld [tilespmem:s19+$0x4010]  }
0xb9: {  	v7 =	vld [tilespmem:s19+$0x20]  }
0xba: {  	v1 =	vadd.f32 v2, v1;
	v2 =	vld [tilespmem:s19+$0x4020]  }
0xbb: {  	v8 =	vld [tilespmem:s19+$0x30]  }
0xbc: {  	v9 =	vld [tilespmem:s19+$0x4030];
	v3 =	vadd.f32 v4, v3  }
0xbd: {  	v10 =	vld [tilespmem:s19+$0x40];
	v1 =	vmax.f32 v1, $0.0e+00  }
0xbe: {  	[tilespmem:s19+$0x8070] =	vst v1;
	v1 =	vmax.f32 v3, $0.0e+00;
	v3 =	vadd.f32 v6, v5;
	v6 =	vld [tilespmem:s19+$0x4040]  }
0xbf: {  	v4 =	vld [tilespmem:s19+$0x4050];
	v2 =	vadd.f32 v2, v7  }
0xc0: {  	[tilespmem:s19+$0x8000] =	vst v1;
	v1 =	vld [tilespmem:s19+$0x50];
	v3 =	vmax.f32 v3, $0.0e+00  }
0xc1: {  	v5 =	vld [tilespmem:s19+$0x4060];
	v7 =	vadd.f32 v9, v8;
	[tilespmem:s19+$0x8010] =	vst v3;
	v3 =	vmax.f32 v2, $0.0e+00  }
0xc2: {  	s8 =	simm.s32 $0x80;
	v2 =	vld [tilespmem:s19+$0x60];
	[tilespmem:s19+$0x8020] =	vst v3  }
0xc3: {  	s9 =	simm.s32 $0x400;
	v7 =	vmax.f32 v7, $0.0e+00;
	v6 =	vadd.f32 v6, v10;
	v3 =	vld [tilespmem:s8+$0x70]  }
.LBB2_9:
0xc4: {  	p3 =	sne.s32 s9, $0x7E00;
	v8 =	vld [tilespmem:s8+$0x4070];
	[tilespmem:s19+$0x8030] =	vst v7  }
0xc5: {  	v7 =	vld [tilespmem:s8+$0x0];
	v6 =	vmax.f32 v6, $0.0e+00;
	v1 =	vadd.f32 v4, v1  }
0xc6: {  	v4 =	vld [tilespmem:s8+$0x4000];
	[tilespmem:s19+$0x8040] =	vst v6  }
0xc7: {  	v6 =	vld [tilespmem:s8+$0x10];
	v1 =	vmax.f32 v1, $0.0e+00;
	v2 =	vadd.f32 v5, v2  }
0xc8: {  	v5 =	vld [tilespmem:s8+$0x4010];
	[tilespmem:s19+$0x8050] =	vst v1  }
0xc9: {  	v1 =	vld [tilespmem:s8+$0x20];
	v3 =	vadd.f32 v8, v3;
	v2 =	vmax.f32 v2, $0.0e+00  }
0xca: {  	v8 =	vld [tilespmem:s8+$0x4020];
	[tilespmem:s19+$0x8060] =	vst v2;
	s19 =	smov.u32 s8  }
0xcb: {  	v2 =	vadd.f32 v4, v7;
	v7 =	vld [tilespmem:s19+$0x30];
	v3 =	vmax.f32 v3, $0.0e+00  }
0xcc: {  	v9 =	vld [tilespmem:s19+$0x4030];
	[tilespmem:s19+$0x8070] =	vst v3  }
0xcd: {  	v2 =	vmax.f32 v2, $0.0e+00;
	v3 =	vadd.f32 v5, v6;
	v6 =	vld [tilespmem:s19+$0x40]  }
0xce: {  	[tilespmem:s19+$0x8000] =	vst v2;
	v10 =	vld [tilespmem:s19+$0x4040]  }
.Ltmp4:
0xcf: {  	v2 =	vmax.f32 v3, $0.0e+00;
	v3 =	vadd.f32 v8, v1;
	v1 =	vld [tilespmem:s19+$0x50];
	(pc) =	sbr.rel @p3 .LBB2_9-.Ltmp4, $4  }
0xd0: {  	[tilespmem:s19+$0x8010] =	vst v2;
	v4 =	vld [tilespmem:s19+$0x4050]  }
0xd1: {  	v3 =	vmax.f32 v3, $0.0e+00;
	v7 =	vadd.f32 v9, v7;
	v2 =	vld [tilespmem:s19+$0x60]  }
0xd2: {  	s8 =	sshra.s32 s9, $0x2;
	[tilespmem:s19+$0x8020] =	vst v3;
	v5 =	vld [tilespmem:s19+$0x4060]  }
0xd3: {  	s9 =	sadd.s32 $0x200, s9;
	v3 =	vld [tilespmem:s8+$0x70];
	v7 =	vmax.f32 v7, $0.0e+00;
	v6 =	vadd.f32 v10, v6  }
0xd4: {  	v8 =	vld [tilespmem:s8+$0x4070];
	[tilespmem:s19+$0x8030] =	vst v7  }
0xd5: {  	v7 =	vld [tilespmem:s8+$0x0];
	v6 =	vmax.f32 v6, $0.0e+00;
	v1 =	vadd.f32 v4, v1  }
0xd6: {  	v9 =	vld [tilespmem:s8+$0x4000];
	[tilespmem:s19+$0x8040] =	vst v6  }
0xd7: {  	v4 =	vld [tilespmem:s8+$0x10];
	v1 =	vmax.f32 v1, $0.0e+00;
	v2 =	vadd.f32 v5, v2  }
0xd8: {  	v6 =	vld [tilespmem:s8+$0x4010];
	[tilespmem:s19+$0x8050] =	vst v1  }
0xd9: {  	v1 =	vld [tilespmem:s8+$0x20];
	v2 =	vmax.f32 v2, $0.0e+00  }
0xda: {  	v5 =	vld [tilespmem:s8+$0x4020];
	v3 =	vadd.f32 v8, v3;
	[tilespmem:s19+$0x8060] =	vst v2  }
0xdb: {  	v7 =	vadd.f32 v9, v7;
	v2 =	vld [tilespmem:s8+$0x30]  }
0xdc: {  	v3 =	vmax.f32 v3, $0.0e+00;
	v8 =	vld [tilespmem:s8+$0x4030]  }
0xdd: {  	[tilespmem:s8+$0x8070] =	vst v3;
	v3 =	vmax.f32 v7, $0.0e+00;
	v7 =	vld [tilespmem:s8+$0x40]  }
0xde: {  	v4 =	vadd.f32 v6, v4;
	v6 =	vld [tilespmem:s8+$0x50]  }
0xdf: {  	[tilespmem:s8+$0x8000] =	vst v3;
	v3 =	vld [tilespmem:s8+$0x4040];
	v1 =	vadd.f32 v5, v1  }
0xe0: {  	v4 =	vmax.f32 v4, $0.0e+00;
	v5 =	vld [tilespmem:s8+$0x60]  }
0xe1: {  	[tilespmem:s8+$0x8010] =	vst v4;
	v4 =	vld [tilespmem:s8+$0x4050];
	v1 =	vmax.f32 v1, $0.0e+00  }
0xe2: {  	[tilespmem:s8+$0x8020] =	vst v1;
	v1 =	vld [tilespmem:s8+$0x4060];
	_ =	sdelay $0x1  }
0xe3: {  	v2 =	vadd.f32 v8, v2  }
0xe4: {  	v3 =	vadd.f32 v3, v7  }
0xe5: {  	v2 =	vmax.f32 v2, $0.0e+00;
	v4 =	vadd.f32 v4, v6  }
0xe6: {  	[tilespmem:s8+$0x8030] =	vst v2;
	v2 =	vmax.f32 v3, $0.0e+00;
	v1 =	vadd.f32 v1, v5  }
0xe7: {  	[tilespmem:s8+$0x8040] =	vst v2;
	v2 =	vmax.f32 v4, $0.0e+00  }
0xe8: {  	[tilespmem:s8+$0x8050] =	vst v2;
	v1 =	vmax.f32 v1, $0.0e+00  }
0xe9: {  	[tilespmem:s8+$0x8060] =	vst v1;
	s8 =	simm.s32 @!p2 $0x6  }
0xea: {  	[spmem:s2] =	stream.indirect.scatter.add.f32 [tilespmem:s20], [sflag:$0x5], $0x80, s12, s4, $0xb8;
	[tilespmem:$0x1FE00] =	vst v63  }
0xeb: {  	_ =	swait.ge @!p2 [sflag:s8], $0x2000  }
0xec: {  	p3 =	seq.s32 @!p2 s18, $0x4D;
	[sflag:s8] =	ssyncset.done @!p2 $0x0  }
0xed: {  	p3 =	por p2, !p3;
	[sflag:s8] =	ssyncadd.s32 @!p2 $0xFFFFE000  }
0xee: {  	_ =	swait.ge @p3 [sflag:s0], $0x40  }
0xef: {  	[sflag:s0] =	ssyncset.done @p3 $0x0  }
0xf0: {  	[sflag:s0] =	ssyncadd.s32 @p3 $0xFFFFFFC0  }
0xf1: {  	_ =	swait.ge @p3 [sflag:s0], $0x40  }
0xf2: {  	[sflag:s0] =	ssyncset.done @p3 $0x0  }
0xf3: {  	[sflag:s0] =	ssyncadd.s32 @p3 $0xFFFFFFC0  }
0xf4: {  	[tilespmem:s3], [sflag:$0x1] =	stream.indirect.gather @p3 [hbm4b:s1+s4], $0x80, s28, s4, $0xb8;
	[tilespmem:$0x1FE00] =	vst v63  }
0xf5: {  	_ = 	snop  }
0xf6: {  	[tilespmem:s26], [sflag:$0x1] =	stream.indirect.gather @p3 [hbm4b:s5+s4], $0x80, s29, s4, $0xb8;
	[tilespmem:$0x1FE00] =	vst v63  }
0xf7: {  	_ =	swait.ge [sflag:s13], $0x2000  }
0xf8: {  	[sflag:s13] =	ssyncset.done $0x0  }
0xf9: {  	[sflag:s13] =	ssyncadd.s32 $0xFFFFE000  }
0xfa: {  	_ =	swait.ge [sflag:s13], $0x2000  }
0xfb: {  	[sflag:s13] =	ssyncset.done $0x0  }
0xfc: {  	[sflag:s13] =	ssyncadd.s32 $0xFFFFE000  }
0xfd: {  	v1 =	vld [tilespmem:$0xC180]  }
0xfe: {  	v2 =	vld [tilespmem:$0xC190]  }
0xff: {  	v3 =	vld [tilespmem:$0xC1A0]  }
0x100: {  	v4 =	vld [tilespmem:$0xC1B0];
	_ =	sdelay $0x1  }
0x101: {  	[tilespmem:$0xC280] =	vst v1  }
0x102: {  	s8 =	sadd.s32 @!p1 s23, s17;
	[tilespmem:$0xC290] =	vst v2  }
0x103: {  	s8 =	sshrl.u32 @!p1 s8, $0x3;
	[tilespmem:$0xC2A0] =	vst v3  }
0x104: {  	s19 =	simm.s32 @!p1 $0x0;
	s23 =	simm.s32 @!p1 $0xC080;
	s9 =	sadd.s32 @!p1 s6, s8;
	[tilespmem:$0xC2B0] =	vst v4  }
0x105: {  	[tilespmem:s23], [sflag:$0x4] =	stream.linear.gather @!p1 [hbm4b:s9+s19], $0x40, $0x38;
	[tilespmem:$0x1FE00] =	vst v63  }
0x106: {  	s8 =	sadd.s32 @!p1 s7, s8;
	s9 =	simm.s32 @!p1 $0xC180  }
0x107: {  	[tilespmem:s9], [sflag:$0x4] =	stream.linear.gather @!p1 [hbm4b:s8+s19], $0x40, $0x38;
	[tilespmem:$0x1FE00] =	vst v63  }
0x108: {  	s19 =	simm.s32 $0x0  }
0x109: {  	v1 =	vld [tilespmem:s19+$0x2070]  }
0x10a: {  	v2 =	vld [tilespmem:s19+$0x6070]  }
0x10b: {  	v3 =	vld [tilespmem:s19+$0x2000]  }
0x10c: {  	v4 =	vld [tilespmem:s19+$0x6000]  }
0x10d: {  	v5 =	vld [tilespmem:s19+$0x2010]  }
0x10e: {  	v6 =	vld [tilespmem:s19+$0x6010]  }
0x10f: {  	v7 =	vld [tilespmem:s19+$0x2020]  }
0x110: {  	v1 =	vadd.f32 v2, v1;
	v2 =	vld [tilespmem:s19+$0x6020]  }
0x111: {  	v8 =	vld [tilespmem:s19+$0x2030]  }
0x112: {  	v63 =	vld [tilespmem:s19+$0x6030];
	v3 =	vadd.f32 v4, v3  }
0x113: {  	v10 =	vld [tilespmem:s19+$0x2040];
	v1 =	vmax.f32 v1, $0.0e+00  }
0x114: {  	[tilespmem:s19+$0xA070] =	vst v1;
	v1 =	vmax.f32 v3, $0.0e+00;
	v3 =	vadd.f32 v6, v5;
	v6 =	vld [tilespmem:s19+$0x6040]  }
0x115: {  	v4 =	vld [tilespmem:s19+$0x6050];
	v2 =	vadd.f32 v2, v7  }
0x116: {  	[tilespmem:s19+$0xA000] =	vst v1;
	v1 =	vld [tilespmem:s19+$0x2050];
	v3 =	vmax.f32 v3, $0.0e+00  }
0x117: {  	v5 =	vld [tilespmem:s19+$0x6060];
	v7 =	vadd.f32 v63, v8;
	[tilespmem:s19+$0xA010] =	vst v3;
	v3 =	vmax.f32 v2, $0.0e+00  }
0x118: {  	s8 =	simm.s32 $0x80;
	v2 =	vld [tilespmem:s19+$0x2060];
	[tilespmem:s19+$0xA020] =	vst v3  }
0x119: {  	s9 =	simm.s32 $0x400;
	v7 =	vmax.f32 v7, $0.0e+00;
	v6 =	vadd.f32 v6, v10;
	v3 =	vld [tilespmem:s8+$0x2070]  }
.LBB2_11:
0x11a: {  	p1 =	sne.s32 s9, $0x7E00;
	v8 =	vld [tilespmem:s8+$0x6070];
	[tilespmem:s19+$0xA030] =	vst v7  }
0x11b: {  	v7 =	vld [tilespmem:s8+$0x2000];
	v6 =	vmax.f32 v6, $0.0e+00;
	v1 =	vadd.f32 v4, v1  }
0x11c: {  	v4 =	vld [tilespmem:s8+$0x6000];
	[tilespmem:s19+$0xA040] =	vst v6  }
0x11d: {  	v6 =	vld [tilespmem:s8+$0x2010];
	v1 =	vmax.f32 v1, $0.0e+00;
	v2 =	vadd.f32 v5, v2  }
0x11e: {  	v5 =	vld [tilespmem:s8+$0x6010];
	[tilespmem:s19+$0xA050] =	vst v1  }
0x11f: {  	v1 =	vld [tilespmem:s8+$0x2020];
	v3 =	vadd.f32 v8, v3;
	v2 =	vmax.f32 v2, $0.0e+00  }
0x120: {  	v8 =	vld [tilespmem:s8+$0x6020];
	[tilespmem:s19+$0xA060] =	vst v2;
	s19 =	smov.u32 s8  }
0x121: {  	v2 =	vadd.f32 v4, v7;
	v7 =	vld [tilespmem:s19+$0x2030];
	v3 =	vmax.f32 v3, $0.0e+00  }
0x122: {  	v9 =	vld [tilespmem:s19+$0x6030];
	[tilespmem:s19+$0xA070] =	vst v3  }
0x123: {  	v2 =	vmax.f32 v2, $0.0e+00;
	v3 =	vadd.f32 v5, v6;
	v6 =	vld [tilespmem:s19+$0x2040]  }
0x124: {  	[tilespmem:s19+$0xA000] =	vst v2;
	v10 =	vld [tilespmem:s19+$0x6040]  }
.Ltmp5:
0x125: {  	v2 =	vmax.f32 v3, $0.0e+00;
	v3 =	vadd.f32 v8, v1;
	v1 =	vld [tilespmem:s19+$0x2050];
	(pc) =	sbr.rel @p1 .LBB2_11-.Ltmp5, $4  }
0x126: {  	[tilespmem:s19+$0xA010] =	vst v2;
	v4 =	vld [tilespmem:s19+$0x6050]  }
0x127: {  	v3 =	vmax.f32 v3, $0.0e+00;
	v7 =	vadd.f32 v9, v7;
	v2 =	vld [tilespmem:s19+$0x2060]  }
0x128: {  	s8 =	sshra.s32 s9, $0x2;
	[tilespmem:s19+$0xA020] =	vst v3;
	v5 =	vld [tilespmem:s19+$0x6060]  }
0x129: {  	s9 =	sadd.s32 $0x200, s9;
	v3 =	vld [tilespmem:s8+$0x2070];
	v7 =	vmax.f32 v7, $0.0e+00;
	v6 =	vadd.f32 v10, v6  }
0x12a: {  	v8 =	vld [tilespmem:s8+$0x6070];
	[tilespmem:s19+$0xA030] =	vst v7  }
0x12b: {  	v7 =	vld [tilespmem:s8+$0x2000];
	v6 =	vmax.f32 v6, $0.0e+00;
	v1 =	vadd.f32 v4, v1  }
0x12c: {  	v9 =	vld [tilespmem:s8+$0x6000];
	[tilespmem:s19+$0xA040] =	vst v6  }
0x12d: {  	v57 =	vld [tilespmem:s8+$0x2010];
	v1 =	vmax.f32 v1, $0.0e+00;
	v2 =	vadd.f32 v5, v2  }
0x12e: {  	v6 =	vld [tilespmem:s8+$0x6010];
	[tilespmem:s19+$0xA050] =	vst v1  }
0x12f: {  	v1 =	vld [tilespmem:s8+$0x2020];
	v2 =	vmax.f32 v2, $0.0e+00  }
0x130: {  	v58 =	vld [tilespmem:s8+$0x6020];
	[tilespmem:s19+$0xA060] =	vst v2  }
0x131: {  	v2 =	vld [tilespmem:s8+$0x2030]  }
0x132: {  	v3 =	vadd.f32 v8, v3;
	v59 =	vld [tilespmem:s8+$0x6030]  }
0x133: {  	v7 =	vadd.f32 v9, v7;
	v60 =	vld [tilespmem:s8+$0x2040]  }
0x134: {  	v3 =	vmax.f32 v3, $0.0e+00;
	v61 =	vld [tilespmem:s8+$0x2050]  }
0x135: {  	v62 =	vld [tilespmem:s8+$0x6050];
	[tilespmem:s8+$0xA070] =	vst v3;
	v3 =	vmax.f32 v7, $0.0e+00;
	v1 =	vadd.f32 v58, v1  }
0x136: {  	[tilespmem:s8+$0xA000] =	vst v3;
	v3 =	vld [tilespmem:s8+$0x6040]  }
0x137: {  	v63 =	vld [tilespmem:s8+$0x2060];
	v1 =	vmax.f32 v1, $0.0e+00  }
0x138: {  	[tilespmem:s8+$0xA020] =	vst v1;
	v1 =	vld [tilespmem:s8+$0x6060]  }
0x139: {  	v4 =	vadd.f32 v6, v57  }
0x13a: {  	v2 =	vadd.f32 v59, v2  }
0x13b: {  	s18 =	sadd.s32 $0x1, s18;
	v4 =	vmax.f32 v4, $0.0e+00;
	v3 =	vadd.f32 v3, v60  }
0x13c: {  	p1 =	sne.s32 s18, $0x4E;
	[tilespmem:s8+$0xA010] =	vst v4;
	v4 =	vadd.f32 v62, v61;
	v2 =	vmax.f32 v2, $0.0e+00  }
.Ltmp6:
0x13d: {  	[tilespmem:s8+$0xA030] =	vst v2;
	v2 =	vmax.f32 v3, $0.0e+00;
	v1 =	vadd.f32 v1, v63;
	(pc) =	sbr.rel @p1 .LBB2_8-.Ltmp6, $4  }
0x13e: {  	[tilespmem:s8+$0xA040] =	vst v2;
	v2 =	vmax.f32 v4, $0.0e+00  }
0x13f: {  	[tilespmem:s8+$0xA050] =	vst v2;
	v1 =	vmax.f32 v1, $0.0e+00  }
0x140: {  	[tilespmem:s8+$0xA060] =	vst v1  }
0x141: {  	[spmem:s2] =	stream.indirect.scatter.add.f32 [tilespmem:s15], [sflag:$0x6], $0x80, s14, s4, $0xb8;
	[tilespmem:$0x1FE00] =	vst v63  }
0x142: {  	s8 =	simm.s32 $0x5  }
0x143: {  	_ =	swait.ge [sflag:s8], $0x2000  }
0x144: {  	[sflag:s8] =	ssyncset.done $0x0  }
0x145: {  	s24 =	simm.s32 $0x6;
	[sflag:s8] =	ssyncadd.s32 $0xFFFFE000  }
0x146: {  	_ =	swait.ge [sflag:s24], $0x2000  }
0x147: {  	[sflag:s24] =	ssyncset.done $0x0  }
0x148: {  	[sflag:s24] =	ssyncadd.s32 $0xFFFFE000  }
0x149: {  	[bflag:$0x0] =	sbarrier.arrive $0xFFFF  }
0x14a: {  	s23 =	rddreg [dreg:$0x5]  }
0x14b: {  	[tilespmem:s20], [sflag:$0x7] =	stream.linear.gather [spmem:s23], $0x2000, $0x38;
	[tilespmem:$0x1FE00] =	vst v63  }
0x14c: {  	_ =	swait.ge [sflag:s21], $0x2000  }
0x14d: {  	[sflag:s21] =	ssyncset.done $0x0  }
.Ltmp7:
0x14e: {  	s9 =	rddreg [dreg:$0xd];
	[sflag:s21] =	ssyncadd.s32 $0xFFFFE000;
	(pc) =	sbr.rel @!p0 .LBB2_15-.Ltmp7, $4  }
0x14f: {  	[hbm4b:s9+s3] =	stream.linear.scatter [tilespmem:s20], [sflag:$0x7], $0x2000, $0x38;
	[tilespmem:$0x1FE00] =	vst v63  }
0x150: {  	_ =	swait.ge [sflag:s21], $0x2000  }
0x151: {  	s19 =	rddreg [dreg:$0x4]  }
0x152: {  	s18 =	smov.u32 s23;
	[sflag:s21] =	ssyncset.done $0x0;
	s8 =	sadd.s32 $0xFFFFFFFF, s19  }
.LBB2_14:
0x153: {  	[sflag:s21] =	ssyncadd.s32 $0xFFFFE000;
	s9 =	sadd.s32 $0x4000, s9;
	s18 =	sadd.s32 $0x20000, s18  }
0x154: {  	[tilespmem:s20], [sflag:$0x7] =	stream.linear.gather [spmem:s18], $0x2000, $0x38;
	[tilespmem:$0x1FE00] =	vst v63  }
0x155: {  	p0 =	sne.s32 s8, $0x1;
	s8 =	sadd.s32 $0xFFFFFFFF, s8;
	_ =	swait.ge [sflag:s21], $0x2000  }
.Ltmp8:
0x156: {  	[sflag:s21] =	ssyncset.done $0x0;
	(pc) =	sbr.rel @p0 .LBB2_14-.Ltmp8, $4  }
0x157: {  	[sflag:s21] =	ssyncadd.s32 $0xFFFFE000  }
0x158: {  	[hbm4b:s9+s3] =	stream.linear.scatter [tilespmem:s20], [sflag:$0x7], $0x2000, $0x38;
	[tilespmem:$0x1FE00] =	vst v63  }
0x159: {  	_ =	swait.ge [sflag:s21], $0x2000  }
0x15a: {  	[sflag:s21] =	ssyncset.done $0x0  }
.LBB2_15:
0x15b: {  	s9 =	rddreg [dreg:$0xe]  }
0x15c: {  	s8 =	rddreg [dreg:$0xc];
	s9 =	sadd.s32 $0x1, s9  }
0x15d: {  	p0 =	sne.s32 s9, s8  }
.Ltmp9:
0x15e: {  	_ = 	snop;
	(pc) =	sbr.rel @p0 .LBB2_1-.Ltmp9, $2  }
0x15f: {  	_ =	sdelay $0x2  }
0x160: {  	[sflag:s21] =	ssyncadd.s32 $0xFFFFE000  }
0x161: {  	_ =	sfence.sel $0x180000  }
0x162: {  	[bflag:$0x0] =	sbarrier.arrive $0xFFFF  }
0x163: {  	_ =	strace $0x90000047  }
0x164: {  	s0 =	stileid.u32;
	[bflag:$0x2] =	sbarrier.arrive $0xFFFF  }
0x165: {  	p0 =	sne.s32 s0, $0x0;
	s0 =	rddreg [dreg:$0x3]  }
0x166: {  	s0 =	sadd.s32 @!p0 $0x100000, s0  }
0x167: {  	[sflag:s0] =	ssyncadd.tile.s32 @!p0 $0x1;
	_ =	shalt  }
.Lfunc_end2:
_tile_overlayer_lowered:
.L_overlay_start_2:
0x168: {  	(tag) =	ssettag $0x2  }
0x169: {  	s0 =	rddreg [dreg:$0x0];
	s2 =	stileid.u32  }
0x16a: {  	s1 =	rddreg [dreg:$0x1];
	p0 =	sne.s32 s2, $0x0  }
0x16b: {  	s3 =	rddreg [dreg:$0x2];
	[bflag:$0x3] =	sbarrier.arrive $0xFFFF;
	s2 =	simm.s32 @!p0 $0x1C07  }
0x16c: {  	[timem:s3], [sflag:s2] =	dma.local @!p0 [hbm:s0], s1  }
0x16d: {  	s0 =	simm.s32 @!p0 $0x7  }
0x16e: {  	_ =	swait.ge @!p0 [sflag:s0], s1  }
0x16f: {  	s1 =	ssub.s32 @!p0 $0x0, s1;
	[sflag:s0] =	ssyncset.done @!p0 $0x0  }
0x170: {  	[sflag:s0] =	ssyncadd.s32 @!p0 s1  }
0x171: {  	[bflag:$0x3] =	sbarrier.arrive $0xFFFF  }
0x172: {  	_ =	shalt  }

</sc_bundles>
